<compile_context>
chip_gen: v7x
topology: tpu7x:2x2x1
jax: 0.10.2.dev20260603
libtpu: 0.0.44.dev20260713+nightly
codegen_flags: <defaults>
</compile_context>

<pallas_src>
import functools

import jax
import jax.numpy as jnp
from jax import lax
from jax.experimental import pallas as pl
from jax.experimental.pallas import tpu as pltpu
from jax.experimental.pallas import tpu_sc as plsc

_NC, _NS = 2, 16
_NW = _NC * _NS
_CH = 128
_NB = 8


def _sc_gather_pool(word_ids, gram_ids, ent_ids, word_table, gram_table, ent_table):
    B, Lw = word_ids.shape
    _, Lg = gram_ids.shape
    _, C = ent_ids.shape
    D = word_table.shape[1]
    assert Lw == Lg, "shared scatter map assumes equal pooling widths"
    bpw = B // _NW
    nwch = (B * Lw) // (_NW * _CH)
    nech = (B * C) // (_NW * _CH)
    rows_per_sc = _NS * bpw

    wid3 = word_ids.reshape(_NW, nwch, _CH).astype(jnp.int32)
    gid3 = gram_ids.reshape(_NW, nwch, _CH).astype(jnp.int32)
    eid3 = ent_ids.reshape(_NW, nech, _CH).astype(jnp.int32)
    smap = ((jnp.arange(B * Lw, dtype=jnp.int32) // Lw) % rows_per_sc).reshape(
        _NW, nwch, _CH)
    zrows = jnp.zeros((bpw, D), jnp.float32)

    mesh = plsc.VectorSubcoreMesh(core_axis_name="c", subcore_axis_name="s")

    @functools.partial(
        pl.kernel,
        out_type=(jax.ShapeDtypeStruct((B, D), jnp.float32),
                  jax.ShapeDtypeStruct((B * C, D), jnp.float32)),
        mesh=mesh,
        scratch_types=[
            pltpu.VMEM((nwch, _CH), jnp.int32),
            pltpu.VMEM((nwch, _CH), jnp.int32),
            pltpu.VMEM((nech, _CH), jnp.int32),
            pltpu.VMEM((nwch, _CH), jnp.int32),
            pltpu.VMEM((_NB, _CH, D), jnp.float32),
            pltpu.VMEM_SHARED((rows_per_sc, D), jnp.float32),
            pltpu.SemaphoreType.DMA,
            pltpu.SemaphoreType.DMA,
        ],
        compiler_params=pltpu.CompilerParams(use_tc_tiling_on_sc=False),
    )
    def sc_kern(wt_hbm, gt_hbm, et_hbm, wid_hbm, gid_hbm, eid_hbm, smap_hbm,
                z_hbm, pooled_hbm, ee_hbm, widx_v, gidx_v, eidx_v, map_v, buf,
                pooled_sh, gsem, ssem):
        c = lax.axis_index("c")
        s = lax.axis_index("s")
        w = c * _NS + s

        def wait_gather(slot):
            pltpu.make_async_copy(z_hbm, buf.at[slot], gsem).wait()

        def wait_consume(slot):
            pltpu.make_async_copy(z_hbm, buf.at[slot], ssem).wait()

        def pipeline(tbl, idx_v, nch, consume):
            for j in range(min(_NB, nch)):
                pltpu.async_copy(tbl.at[idx_v.at[j]], buf.at[j], gsem)

            def body(k, carry):
                slot = lax.rem(k, _NB)
                wait_gather(slot)
                consume(k, slot)
                nk = k + _NB

                @pl.when(nk < nch)
                def _():
                    wait_consume(slot)
                    pltpu.async_copy(tbl.at[idx_v.at[nk]], buf.at[slot], gsem)

                return carry

            lax.fori_loop(0, nch, body, 0)
            for _ in range(min(_NB, nch)):
                wait_consume(0)

        pltpu.sync_copy(z_hbm, pooled_sh.at[pl.ds(s * bpw, bpw)])
        pltpu.sync_copy(smap_hbm.at[w], map_v)
        pltpu.sync_copy(wid_hbm.at[w], widx_v)
        pltpu.sync_copy(gid_hbm.at[w], gidx_v)
        pltpu.sync_copy(eid_hbm.at[w], eidx_v)

        def pool_consume(k, slot):
            pltpu.async_copy(buf.at[slot], pooled_sh.at[map_v.at[k]], ssem,
                             add=True)

        def ent_consume(k, slot):
            pltpu.async_copy(buf.at[slot],
                             ee_hbm.at[pl.ds((w * nech + k) * _CH, _CH)], ssem)

        pipeline(wt_hbm, widx_v, nwch, pool_consume)
        pipeline(gt_hbm, gidx_v, nwch, pool_consume)
        pltpu.sync_copy(pooled_sh.at[pl.ds(s * bpw, bpw)],
                        pooled_hbm.at[pl.ds(w * bpw, bpw)])
        pipeline(et_hbm, eidx_v, nech, ent_consume)

    return sc_kern(word_table, gram_table, ent_table, wid3, gid3, eid3, smap,
                   zrows)


def _tc_score(pooled, ee, W, b, inv_scale):
    B, D = pooled.shape
    C = ee.shape[0] // B
    BB = 512

    def body(p_ref, w_ref, b_ref, e_ref, o_ref):
        ctx = lax.dot_general(p_ref[...], w_ref[...], (((1,), (1,)), ((), ())),
                              preferred_element_type=jnp.float32)
        ctx = ctx * inv_scale + b_ref[...]
        e3 = e_ref[...].reshape(BB, C, D)
        o_ref[...] = jnp.sum(e3 * ctx[:, None, :], axis=-1)

    return pl.pallas_call(
        body,
        grid=(B // BB,),
        in_specs=[
            pl.BlockSpec((BB, D), lambda i: (i, 0)),
            pl.BlockSpec((D, D), lambda i: (0, 0)),
            pl.BlockSpec((1, D), lambda i: (0, 0)),
            pl.BlockSpec((BB * C, D), lambda i: (i, 0)),
        ],
        out_specs=pl.BlockSpec((BB, C), lambda i: (i, 0)),
        out_shape=jax.ShapeDtypeStruct((B, C), jnp.float32),
    )(pooled, W, b.reshape(1, D), ee)


def kernel(word_ids, gram_ids, ent_ids, word_table, gram_table, ent_table, W, b):
    pooled, ee = _sc_gather_pool(word_ids, gram_ids, ent_ids,
                                 word_table, gram_table, ent_table)
    return _tc_score(pooled, ee, W, b, 1.0 / word_ids.shape[1])

# --- scband reference (transcript-rebuilt; emitter-appended) ---
"""Pipeline reference for scband-combined-base-35347580846465 (READ-ONLY COPY).

The authoritative reference and input builder live on the scoring server;
editing this copy changes nothing except your own understanding.
"""

import jax, jax.numpy as jnp
import numpy as np


def setup_inputs(seed: int = 0) -> dict:
    key = jax.random.key(seed)
    ks = jax.random.split(key, 8)
    B, Lw, Lg, C = 4096, 50, 50, 20
    Vw, Vg, Ve, D = 1000000, 100000, 1000000, 64
    word_table = jax.random.normal(ks[0], (Vw, D), dtype=jnp.float32) * 0.02
    word_table = word_table.at[0].set(0.0)  # padding_idx=0
    gram_table = jax.random.normal(ks[1], (Vg, D), dtype=jnp.float32) * 0.02
    gram_table = gram_table.at[0].set(0.0)  # padding_idx=0
    ent_table = jax.random.normal(ks[2], (Ve, D), dtype=jnp.float32) * 0.02
    ent_table = ent_table.at[0].set(0.0)  # padding_idx=0
    W = jax.random.normal(ks[3], (D, D), dtype=jnp.float32) * 0.02
    b = jnp.zeros((D,), dtype=jnp.float32)
    word_ids = jax.random.randint(ks[4], (B, Lw), 0, Vw)
    gram_ids = jax.random.randint(ks[5], (B, Lg), 0, Vg)
    ent_ids = jax.random.randint(ks[6], (B, C), 0, Ve)
    return {
        "word_ids": word_ids,
        "gram_ids": gram_ids,
        "ent_ids": ent_ids,
        "word_table": word_table,
        "gram_table": gram_table,
        "ent_table": ent_table,
        "W": W,
        "b": b,
    }


def reference(word_ids, gram_ids, ent_ids, word_table, gram_table, ent_table, W, b):
    # Embedding lookups (padding_idx=0 rows are zero in the tables)
    we = jnp.take(word_table, word_ids, axis=0)   # [B, Lw, D]
    ge = jnp.take(gram_table, gram_ids, axis=0)   # [B, Lg, D]
    ee = jnp.take(ent_table, ent_ids, axis=0)     # [B, C, D]
    # Context vector: mean-pooled word + gram embeddings, projected by orig_linear
    ctx = we.mean(axis=1) + ge.mean(axis=1)        # [B, D]
    ctx = ctx @ W.T + b                            # nn.Linear semantics: x @ W^T + b
    # Candidate entity scores via dot product with projected context
    scores = jnp.einsum('bcd,bd->bc', ee, ctx)     # [B, C]
    return scores

if __name__ == "__main__":
    import jax
    _d = setup_inputs()
    print(jax.jit(kernel)(*tuple(_d.values())))

</pallas_src>

<mosaic_0001>
#map = affine_map<(d0, d1) -> (0, 0)>
#map1 = affine_map<(d0, d1) -> (0, 0, 0)>
module attributes {stable_mosaic.version = 14 : i64} {
  func.func @sc_kern(%arg0: i32, %arg1: i32, %arg2: memref<1000000x64xf32, #tpu.memory_space<hbm>>, %arg3: memref<100000x64xf32, #tpu.memory_space<hbm>>, %arg4: memref<1000000x64xf32, #tpu.memory_space<hbm>>, %arg5: memref<32x50x128xi32, #tpu.memory_space<hbm>>, %arg6: memref<32x50x128xi32, #tpu.memory_space<hbm>>, %arg7: memref<32x20x128xi32, #tpu.memory_space<hbm>>, %arg8: memref<32x50x128xi32, #tpu.memory_space<hbm>>, %arg9: memref<128x64xf32, #tpu.memory_space<hbm>>, %arg10: memref<4096x64xf32, #tpu.memory_space<hbm>>, %arg11: memref<81920x64xf32, #tpu.memory_space<hbm>>, %arg12: memref<50x128xi32, #tpu.memory_space<vmem>>, %arg13: memref<50x128xi32, #tpu.memory_space<vmem>>, %arg14: memref<20x128xi32, #tpu.memory_space<vmem>>, %arg15: memref<50x128xi32, #tpu.memory_space<vmem>>, %arg16: memref<8x128x64xf32, #tpu.memory_space<vmem>>, %arg17: memref<2048x64xf32, #tpu.memory_space<vmem_shared>>, %arg18: memref<!tpu.dma_semaphore, #tpu.memory_space<semaphore_mem>>, %arg19: memref<!tpu.dma_semaphore, #tpu.memory_space<semaphore_mem>>) attributes {dimension_semantics = [#tpu.dimension_semantics<core_parallel>, #tpu.dimension_semantics<subcore_parallel>], iteration_bounds = array<i64: 2, 16>, scalar_prefetch = 0 : i64, scratch_operands = 8 : i64, tpu.core_type = #tpu.core_type<sc_vector_subcore>, window_params = [{transform_indices = #map}, {transform_indices = #map}, {transform_indices = #map}, {transform_indices = #map1}, {transform_indices = #map1}, {transform_indices = #map1}, {transform_indices = #map1}, {transform_indices = #map}, {transform_indices = #map}, {transform_indices = #map}]} {
    %mul3A = arith.constant 16 : i32
    %mul3A_0 = arith.muli %arg0, %mul3A : i32
    %add3A = arith.addi %mul3A_0, %arg1 : i32
    %mul3A_1 = arith.constant 128 : i32
    %mul3A_2 = arith.muli %arg1, %mul3A_1 : i32
    "tpu.region"() ({
      %run_scoped3A = tpu.sem_alloc : memref<!tpu.dma_semaphore, #tpu.memory_space<semaphore_mem>>
      %dma_start3A_526 = arith.constant 0 : i32
      %dma_start3A_527 = tpu.memref_slice %arg17[%mul3A_2, %dma_start3A_526] : memref<2048x64xf32, #tpu.memory_space<vmem_shared>> -> memref<128x64xf32, #tpu.memory_space<vmem_shared>>
      tpu.enqueue_dma source(%arg9 : memref<128x64xf32, #tpu.memory_space<hbm>>) target(%dma_start3A_527 : memref<128x64xf32, #tpu.memory_space<vmem_shared>>) target_semaphore(%run_scoped3A : memref<!tpu.dma_semaphore, #tpu.memory_space<semaphore_mem>>)
      %dma_wait3A_528 = arith.constant 0 : i32
      %dma_wait3A_529 = tpu.memref_slice %arg17[%mul3A_2, %dma_wait3A_528] : memref<2048x64xf32, #tpu.memory_space<vmem_shared>> -> memref<128x64xf32, #tpu.memory_space<vmem_shared>>
      tpu.wait_dma2 semaphore(%run_scoped3A : memref<!tpu.dma_semaphore, #tpu.memory_space<semaphore_mem>>) src(%arg9 : memref<128x64xf32, #tpu.memory_space<hbm>>) dst(%dma_wait3A_529 : memref<128x64xf32, #tpu.memory_space<vmem_shared>>)
      tpu.yield
    }) : () -> ()
    "tpu.region"() ({
      %run_scoped3A = tpu.sem_alloc : memref<!tpu.dma_semaphore, #tpu.memory_space<semaphore_mem>>
      %dma_start3A_526 = arith.constant 0 : i32
      %dma_start3A_527 = arith.constant 0 : i32
      %dma_start3A_528 = tpu.memref_slice %arg8[%add3A, %dma_start3A_526, %dma_start3A_527] : memref<32x50x128xi32, #tpu.memory_space<hbm>> -> memref<1x50x128xi32, #tpu.memory_space<hbm>>
      %dma_start3A_529 = tpu.memref_squeeze %dma_start3A_528 : memref<1x50x128xi32, #tpu.memory_space<hbm>> -> memref<50x128xi32, #tpu.memory_space<hbm>>
      %dma_start3A_530 = arith.constant 0 : i32
      %dma_start3A_531 = arith.constant 0 : i32
      %dma_start3A_532 = tpu.memref_slice %arg8[%add3A, %dma_start3A_530, %dma_start3A_531] : memref<32x50x128xi32, #tpu.memory_space<hbm>> -> memref<1x50x128xi32, #tpu.memory_space<hbm>>
      %dma_start3A_533 = tpu.memref_squeeze %dma_start3A_532 : memref<1x50x128xi32, #tpu.memory_space<hbm>> -> memref<50x128xi32, #tpu.memory_space<hbm>>
      tpu.enqueue_dma source(%dma_start3A_533 : memref<50x128xi32, #tpu.memory_space<hbm>>) target(%arg15 : memref<50x128xi32, #tpu.memory_space<vmem>>) target_semaphore(%run_scoped3A : memref<!tpu.dma_semaphore, #tpu.memory_space<semaphore_mem>>)
      %dma_wait3A_534 = arith.constant 0 : i32
      %dma_wait3A_535 = arith.constant 0 : i32
      %dma_wait3A_536 = tpu.memref_slice %arg8[%add3A, %dma_wait3A_534, %dma_wait3A_535] : memref<32x50x128xi32, #tpu.memory_space<hbm>> -> memref<1x50x128xi32, #tpu.memory_space<hbm>>
      %dma_wait3A_537 = tpu.memref_squeeze %dma_wait3A_536 : memref<1x50x128xi32, #tpu.memory_space<hbm>> -> memref<50x128xi32, #tpu.memory_space<hbm>>
      %dma_wait3A_538 = arith.constant 0 : i32
      %dma_wait3A_539 = arith.constant 0 : i32
      %dma_wait3A_540 = tpu.memref_slice %arg8[%add3A, %dma_wait3A_538, %dma_wait3A_539] : memref<32x50x128xi32, #tpu.memory_space<hbm>> -> memref<1x50x128xi32, #tpu.memory_space<hbm>>
      %dma_wait3A_541 = tpu.memref_squeeze %dma_wait3A_540 : memref<1x50x128xi32, #tpu.memory_space<hbm>> -> memref<50x128xi32, #tpu.memory_space<hbm>>
      tpu.wait_dma2 semaphore(%run_scoped3A : memref<!tpu.dma_semaphore, #tpu.memory_space<semaphore_mem>>) src(%dma_wait3A_541 : memref<50x128xi32, #tpu.memory_space<hbm>>) dst(%arg15 : memref<50x128xi32, #tpu.memory_space<vmem>>)
      tpu.yield
    }) : () -> ()
    "tpu.region"() ({
      %run_scoped3A = tpu.sem_alloc : memref<!tpu.dma_semaphore, #tpu.memory_space<semaphore_mem>>
      %dma_start3A_526 = arith.constant 0 : i32
      %dma_start3A_527 = arith.constant 0 : i32
      %dma_start3A_528 = tpu.memref_slice %arg5[%add3A, %dma_start3A_526, %dma_start3A_527] : memref<32x50x128xi32, #tpu.memory_space<hbm>> -> memref<1x50x128xi32, #tpu.memory_space<hbm>>
      %dma_start3A_529 = tpu.memref_squeeze %dma_start3A_528 : memref<1x50x128xi32, #tpu.memory_space<hbm>> -> memref<50x128xi32, #tpu.memory_space<hbm>>
      %dma_start3A_530 = arith.constant 0 : i32
      %dma_start3A_531 = arith.constant 0 : i32
      %dma_start3A_532 = tpu.memref_slice %arg5[%add3A, %dma_start3A_530, %dma_start3A_531] : memref<32x50x128xi32, #tpu.memory_space<hbm>> -> memref<1x50x128xi32, #tpu.memory_space<hbm>>
      %dma_start3A_533 = tpu.memref_squeeze %dma_start3A_532 : memref<1x50x128xi32, #tpu.memory_space<hbm>> -> memref<50x128xi32, #tpu.memory_space<hbm>>
      tpu.enqueue_dma source(%dma_start3A_533 : memref<50x128xi32, #tpu.memory_space<hbm>>) target(%arg12 : memref<50x128xi32, #tpu.memory_space<vmem>>) target_semaphore(%run_scoped3A : memref<!tpu.dma_semaphore, #tpu.memory_space<semaphore_mem>>)
      %dma_wait3A_534 = arith.constant 0 : i32
      %dma_wait3A_535 = arith.constant 0 : i32
      %dma_wait3A_536 = tpu.memref_slice %arg5[%add3A, %dma_wait3A_534, %dma_wait3A_535] : memref<32x50x128xi32, #tpu.memory_space<hbm>> -> memref<1x50x128xi32, #tpu.memory_space<hbm>>
      %dma_wait3A_537 = tpu.memref_squeeze %dma_wait3A_536 : memref<1x50x128xi32, #tpu.memory_space<hbm>> -> memref<50x128xi32, #tpu.memory_space<hbm>>
      %dma_wait3A_538 = arith.constant 0 : i32
      %dma_wait3A_539 = arith.constant 0 : i32
      %dma_wait3A_540 = tpu.memref_slice %arg5[%add3A, %dma_wait3A_538, %dma_wait3A_539] : memref<32x50x128xi32, #tpu.memory_space<hbm>> -> memref<1x50x128xi32, #tpu.memory_space<hbm>>
      %dma_wait3A_541 = tpu.memref_squeeze %dma_wait3A_540 : memref<1x50x128xi32, #tpu.memory_space<hbm>> -> memref<50x128xi32, #tpu.memory_space<hbm>>
      tpu.wait_dma2 semaphore(%run_scoped3A : memref<!tpu.dma_semaphore, #tpu.memory_space<semaphore_mem>>) src(%dma_wait3A_541 : memref<50x128xi32, #tpu.memory_space<hbm>>) dst(%arg12 : memref<50x128xi32, #tpu.memory_space<vmem>>)
      tpu.yield
    }) : () -> ()
    "tpu.region"() ({
      %run_scoped3A = tpu.sem_alloc : memref<!tpu.dma_semaphore, #tpu.memory_space<semaphore_mem>>
      %dma_start3A_526 = arith.constant 0 : i32
      %dma_start3A_527 = arith.constant 0 : i32
      %dma_start3A_528 = tpu.memref_slice %arg6[%add3A, %dma_start3A_526, %dma_start3A_527] : memref<32x50x128xi32, #tpu.memory_space<hbm>> -> memref<1x50x128xi32, #tpu.memory_space<hbm>>
      %dma_start3A_529 = tpu.memref_squeeze %dma_start3A_528 : memref<1x50x128xi32, #tpu.memory_space<hbm>> -> memref<50x128xi32, #tpu.memory_space<hbm>>
      %dma_start3A_530 = arith.constant 0 : i32
      %dma_start3A_531 = arith.constant 0 : i32
      %dma_start3A_532 = tpu.memref_slice %arg6[%add3A, %dma_start3A_530, %dma_start3A_531] : memref<32x50x128xi32, #tpu.memory_space<hbm>> -> memref<1x50x128xi32, #tpu.memory_space<hbm>>
      %dma_start3A_533 = tpu.memref_squeeze %dma_start3A_532 : memref<1x50x128xi32, #tpu.memory_space<hbm>> -> memref<50x128xi32, #tpu.memory_space<hbm>>
      tpu.enqueue_dma source(%dma_start3A_533 : memref<50x128xi32, #tpu.memory_space<hbm>>) target(%arg13 : memref<50x128xi32, #tpu.memory_space<vmem>>) target_semaphore(%run_scoped3A : memref<!tpu.dma_semaphore, #tpu.memory_space<semaphore_mem>>)
      %dma_wait3A_534 = arith.constant 0 : i32
      %dma_wait3A_535 = arith.constant 0 : i32
      %dma_wait3A_536 = tpu.memref_slice %arg6[%add3A, %dma_wait3A_534, %dma_wait3A_535] : memref<32x50x128xi32, #tpu.memory_space<hbm>> -> memref<1x50x128xi32, #tpu.memory_space<hbm>>
      %dma_wait3A_537 = tpu.memref_squeeze %dma_wait3A_536 : memref<1x50x128xi32, #tpu.memory_space<hbm>> -> memref<50x128xi32, #tpu.memory_space<hbm>>
      %dma_wait3A_538 = arith.constant 0 : i32
      %dma_wait3A_539 = arith.constant 0 : i32
      %dma_wait3A_540 = tpu.memref_slice %arg6[%add3A, %dma_wait3A_538, %dma_wait3A_539] : memref<32x50x128xi32, #tpu.memory_space<hbm>> -> memref<1x50x128xi32, #tpu.memory_space<hbm>>
      %dma_wait3A_541 = tpu.memref_squeeze %dma_wait3A_540 : memref<1x50x128xi32, #tpu.memory_space<hbm>> -> memref<50x128xi32, #tpu.memory_space<hbm>>
      tpu.wait_dma2 semaphore(%run_scoped3A : memref<!tpu.dma_semaphore, #tpu.memory_space<semaphore_mem>>) src(%dma_wait3A_541 : memref<50x128xi32, #tpu.memory_space<hbm>>) dst(%arg13 : memref<50x128xi32, #tpu.memory_space<vmem>>)
      tpu.yield
    }) : () -> ()
    "tpu.region"() ({
      %run_scoped3A = tpu.sem_alloc : memref<!tpu.dma_semaphore, #tpu.memory_space<semaphore_mem>>
      %dma_start3A_526 = arith.constant 0 : i32
      %dma_start3A_527 = arith.constant 0 : i32
      %dma_start3A_528 = tpu.memref_slice %arg7[%add3A, %dma_start3A_526, %dma_start3A_527] : memref<32x20x128xi32, #tpu.memory_space<hbm>> -> memref<1x20x128xi32, #tpu.memory_space<hbm>>
      %dma_start3A_529 = tpu.memref_squeeze %dma_start3A_528 : memref<1x20x128xi32, #tpu.memory_space<hbm>> -> memref<20x128xi32, #tpu.memory_space<hbm>>
      %dma_start3A_530 = arith.constant 0 : i32
      %dma_start3A_531 = arith.constant 0 : i32
      %dma_start3A_532 = tpu.memref_slice %arg7[%add3A, %dma_start3A_530, %dma_start3A_531] : memref<32x20x128xi32, #tpu.memory_space<hbm>> -> memref<1x20x128xi32, #tpu.memory_space<hbm>>
      %dma_start3A_533 = tpu.memref_squeeze %dma_start3A_532 : memref<1x20x128xi32, #tpu.memory_space<hbm>> -> memref<20x128xi32, #tpu.memory_space<hbm>>
      tpu.enqueue_dma source(%dma_start3A_533 : memref<20x128xi32, #tpu.memory_space<hbm>>) target(%arg14 : memref<20x128xi32, #tpu.memory_space<vmem>>) target_semaphore(%run_scoped3A : memref<!tpu.dma_semaphore, #tpu.memory_space<semaphore_mem>>)
      %dma_wait3A_534 = arith.constant 0 : i32
      %dma_wait3A_535 = arith.constant 0 : i32
      %dma_wait3A_536 = tpu.memref_slice %arg7[%add3A, %dma_wait3A_534, %dma_wait3A_535] : memref<32x20x128xi32, #tpu.memory_space<hbm>> -> memref<1x20x128xi32, #tpu.memory_space<hbm>>
      %dma_wait3A_537 = tpu.memref_squeeze %dma_wait3A_536 : memref<1x20x128xi32, #tpu.memory_space<hbm>> -> memref<20x128xi32, #tpu.memory_space<hbm>>
      %dma_wait3A_538 = arith.constant 0 : i32
      %dma_wait3A_539 = arith.constant 0 : i32
      %dma_wait3A_540 = tpu.memref_slice %arg7[%add3A, %dma_wait3A_538, %dma_wait3A_539] : memref<32x20x128xi32, #tpu.memory_space<hbm>> -> memref<1x20x128xi32, #tpu.memory_space<hbm>>
      %dma_wait3A_541 = tpu.memref_squeeze %dma_wait3A_540 : memref<1x20x128xi32, #tpu.memory_space<hbm>> -> memref<20x128xi32, #tpu.memory_space<hbm>>
      tpu.wait_dma2 semaphore(%run_scoped3A : memref<!tpu.dma_semaphore, #tpu.memory_space<semaphore_mem>>) src(%dma_wait3A_541 : memref<20x128xi32, #tpu.memory_space<hbm>>) dst(%arg14 : memref<20x128xi32, #tpu.memory_space<vmem>>)
      tpu.yield
    }) : () -> ()
    %dma_start3A = arith.constant 0 : i32
    %dma_start3A_3 = arith.constant 0 : i32
    %dma_start3A_4 = arith.constant 0 : i32
    %dma_start3A_5 = arith.constant 0 : i32
    %dma_start3A_6 = tpu.memref_slice %arg16[%dma_start3A_3, %dma_start3A_4, %dma_start3A_5] : memref<8x128x64xf32, #tpu.memory_space<vmem>> -> memref<1x128x64xf32, #tpu.memory_space<vmem>>
    %dma_start3A_7 = tpu.memref_squeeze %dma_start3A_6 : memref<1x128x64xf32, #tpu.memory_space<vmem>> -> memref<128x64xf32, #tpu.memory_space<vmem>>
    %dma_start3A_8 = arith.constant 0 : i32
    %dma_start3A_9 = tpu.memref_slice %arg12[%dma_start3A, %dma_start3A_8] : memref<50x128xi32, #tpu.memory_space<vmem>> -> memref<1x128xi32, #tpu.memory_space<vmem>>
    %dma_start3A_10 = tpu.memref_squeeze %dma_start3A_9 : memref<1x128xi32, #tpu.memory_space<vmem>> -> memref<128xi32, #tpu.memory_space<vmem>>
    %dma_start3A_11 = arith.constant 0 : i32
    %dma_start3A_12 = arith.constant 0 : i32
    %dma_start3A_13 = tpu.memref_slice %arg2[%dma_start3A_11, %dma_start3A_12] : memref<1000000x64xf32, #tpu.memory_space<hbm>> -> memref<1000000x64xf32, #tpu.memory_space<hbm>>
    tpu.enqueue_indirect_dma source(%dma_start3A_13 : memref<1000000x64xf32, #tpu.memory_space<hbm>>) target(%dma_start3A_7 : memref<128x64xf32, #tpu.memory_space<vmem>>) offsets(%dma_start3A_10 : memref<128xi32, #tpu.memory_space<vmem>>) semaphore(%arg18 : memref<!tpu.dma_semaphore, #tpu.memory_space<semaphore_mem>>)
    %dma_start3A_14 = arith.constant 1 : i32
    %dma_start3A_15 = arith.constant 1 : i32
    %dma_start3A_16 = arith.constant 0 : i32
    %dma_start3A_17 = arith.constant 0 : i32
    %dma_start3A_18 = tpu.memref_slice %arg16[%dma_start3A_15, %dma_start3A_16, %dma_start3A_17] : memref<8x128x64xf32, #tpu.memory_space<vmem>> -> memref<1x128x64xf32, #tpu.memory_space<vmem>>
    %dma_start3A_19 = tpu.memref_squeeze %dma_start3A_18 : memref<1x128x64xf32, #tpu.memory_space<vmem>> -> memref<128x64xf32, #tpu.memory_space<vmem>>
    %dma_start3A_20 = arith.constant 0 : i32
    %dma_start3A_21 = tpu.memref_slice %arg12[%dma_start3A_14, %dma_start3A_20] : memref<50x128xi32, #tpu.memory_space<vmem>> -> memref<1x128xi32, #tpu.memory_space<vmem>>
    %dma_start3A_22 = tpu.memref_squeeze %dma_start3A_21 : memref<1x128xi32, #tpu.memory_space<vmem>> -> memref<128xi32, #tpu.memory_space<vmem>>
    %dma_start3A_23 = arith.constant 0 : i32
    %dma_start3A_24 = arith.constant 0 : i32
    %dma_start3A_25 = tpu.memref_slice %arg2[%dma_start3A_23, %dma_start3A_24] : memref<1000000x64xf32, #tpu.memory_space<hbm>> -> memref<1000000x64xf32, #tpu.memory_space<hbm>>
    tpu.enqueue_indirect_dma source(%dma_start3A_25 : memref<1000000x64xf32, #tpu.memory_space<hbm>>) target(%dma_start3A_19 : memref<128x64xf32, #tpu.memory_space<vmem>>) offsets(%dma_start3A_22 : memref<128xi32, #tpu.memory_space<vmem>>) semaphore(%arg18 : memref<!tpu.dma_semaphore, #tpu.memory_space<semaphore_mem>>)
    %dma_start3A_26 = arith.constant 2 : i32
    %dma_start3A_27 = arith.constant 2 : i32
    %dma_start3A_28 = arith.constant 0 : i32
    %dma_start3A_29 = arith.constant 0 : i32
    %dma_start3A_30 = tpu.memref_slice %arg16[%dma_start3A_27, %dma_start3A_28, %dma_start3A_29] : memref<8x128x64xf32, #tpu.memory_space<vmem>> -> memref<1x128x64xf32, #tpu.memory_space<vmem>>
    %dma_start3A_31 = tpu.memref_squeeze %dma_start3A_30 : memref<1x128x64xf32, #tpu.memory_space<vmem>> -> memref<128x64xf32, #tpu.memory_space<vmem>>
    %dma_start3A_32 = arith.constant 0 : i32
    %dma_start3A_33 = tpu.memref_slice %arg12[%dma_start3A_26, %dma_start3A_32] : memref<50x128xi32, #tpu.memory_space<vmem>> -> memref<1x128xi32, #tpu.memory_space<vmem>>
    %dma_start3A_34 = tpu.memref_squeeze %dma_start3A_33 : memref<1x128xi32, #tpu.memory_space<vmem>> -> memref<128xi32, #tpu.memory_space<vmem>>
    %dma_start3A_35 = arith.constant 0 : i32
    %dma_start3A_36 = arith.constant 0 : i32
    %dma_start3A_37 = tpu.memref_slice %arg2[%dma_start3A_35, %dma_start3A_36] : memref<1000000x64xf32, #tpu.memory_space<hbm>> -> memref<1000000x64xf32, #tpu.memory_space<hbm>>
    tpu.enqueue_indirect_dma source(%dma_start3A_37 : memref<1000000x64xf32, #tpu.memory_space<hbm>>) target(%dma_start3A_31 : memref<128x64xf32, #tpu.memory_space<vmem>>) offsets(%dma_start3A_34 : memref<128xi32, #tpu.memory_space<vmem>>) semaphore(%arg18 : memref<!tpu.dma_semaphore, #tpu.memory_space<semaphore_mem>>)
    %dma_start3A_38 = arith.constant 3 : i32
    %dma_start3A_39 = arith.constant 3 : i32
    %dma_start3A_40 = arith.constant 0 : i32
    %dma_start3A_41 = arith.constant 0 : i32
    %dma_start3A_42 = tpu.memref_slice %arg16[%dma_start3A_39, %dma_start3A_40, %dma_start3A_41] : memref<8x128x64xf32, #tpu.memory_space<vmem>> -> memref<1x128x64xf32, #tpu.memory_space<vmem>>
    %dma_start3A_43 = tpu.memref_squeeze %dma_start3A_42 : memref<1x128x64xf32, #tpu.memory_space<vmem>> -> memref<128x64xf32, #tpu.memory_space<vmem>>
    %dma_start3A_44 = arith.constant 0 : i32
    %dma_start3A_45 = tpu.memref_slice %arg12[%dma_start3A_38, %dma_start3A_44] : memref<50x128xi32, #tpu.memory_space<vmem>> -> memref<1x128xi32, #tpu.memory_space<vmem>>
    %dma_start3A_46 = tpu.memref_squeeze %dma_start3A_45 : memref<1x128xi32, #tpu.memory_space<vmem>> -> memref<128xi32, #tpu.memory_space<vmem>>
    %dma_start3A_47 = arith.constant 0 : i32
    %dma_start3A_48 = arith.constant 0 : i32
    %dma_start3A_49 = tpu.memref_slice %arg2[%dma_start3A_47, %dma_start3A_48] : memref<1000000x64xf32, #tpu.memory_space<hbm>> -> memref<1000000x64xf32, #tpu.memory_space<hbm>>
    tpu.enqueue_indirect_dma source(%dma_start3A_49 : memref<1000000x64xf32, #tpu.memory_space<hbm>>) target(%dma_start3A_43 : memref<128x64xf32, #tpu.memory_space<vmem>>) offsets(%dma_start3A_46 : memref<128xi32, #tpu.memory_space<vmem>>) semaphore(%arg18 : memref<!tpu.dma_semaphore, #tpu.memory_space<semaphore_mem>>)
    %dma_start3A_50 = arith.constant 4 : i32
    %dma_start3A_51 = arith.constant 4 : i32
    %dma_start3A_52 = arith.constant 0 : i32
    %dma_start3A_53 = arith.constant 0 : i32
    %dma_start3A_54 = tpu.memref_slice %arg16[%dma_start3A_51, %dma_start3A_52, %dma_start3A_53] : memref<8x128x64xf32, #tpu.memory_space<vmem>> -> memref<1x128x64xf32, #tpu.memory_space<vmem>>
    %dma_start3A_55 = tpu.memref_squeeze %dma_start3A_54 : memref<1x128x64xf32, #tpu.memory_space<vmem>> -> memref<128x64xf32, #tpu.memory_space<vmem>>
    %dma_start3A_56 = arith.constant 0 : i32
    %dma_start3A_57 = tpu.memref_slice %arg12[%dma_start3A_50, %dma_start3A_56] : memref<50x128xi32, #tpu.memory_space<vmem>> -> memref<1x128xi32, #tpu.memory_space<vmem>>
    %dma_start3A_58 = tpu.memref_squeeze %dma_start3A_57 : memref<1x128xi32, #tpu.memory_space<vmem>> -> memref<128xi32, #tpu.memory_space<vmem>>
    %dma_start3A_59 = arith.constant 0 : i32
    %dma_start3A_60 = arith.constant 0 : i32
    %dma_start3A_61 = tpu.memref_slice %arg2[%dma_start3A_59, %dma_start3A_60] : memref<1000000x64xf32, #tpu.memory_space<hbm>> -> memref<1000000x64xf32, #tpu.memory_space<hbm>>
    tpu.enqueue_indirect_dma source(%dma_start3A_61 : memref<1000000x64xf32, #tpu.memory_space<hbm>>) target(%dma_start3A_55 : memref<128x64xf32, #tpu.memory_space<vmem>>) offsets(%dma_start3A_58 : memref<128xi32, #tpu.memory_space<vmem>>) semaphore(%arg18 : memref<!tpu.dma_semaphore, #tpu.memory_space<semaphore_mem>>)
    %dma_start3A_62 = arith.constant 5 : i32
    %dma_start3A_63 = arith.constant 5 : i32
    %dma_start3A_64 = arith.constant 0 : i32
    %dma_start3A_65 = arith.constant 0 : i32
    %dma_start3A_66 = tpu.memref_slice %arg16[%dma_start3A_63, %dma_start3A_64, %dma_start3A_65] : memref<8x128x64xf32, #tpu.memory_space<vmem>> -> memref<1x128x64xf32, #tpu.memory_space<vmem>>
    %dma_start3A_67 = tpu.memref_squeeze %dma_start3A_66 : memref<1x128x64xf32, #tpu.memory_space<vmem>> -> memref<128x64xf32, #tpu.memory_space<vmem>>
    %dma_start3A_68 = arith.constant 0 : i32
    %dma_start3A_69 = tpu.memref_slice %arg12[%dma_start3A_62, %dma_start3A_68] : memref<50x128xi32, #tpu.memory_space<vmem>> -> memref<1x128xi32, #tpu.memory_space<vmem>>
    %dma_start3A_70 = tpu.memref_squeeze %dma_start3A_69 : memref<1x128xi32, #tpu.memory_space<vmem>> -> memref<128xi32, #tpu.memory_space<vmem>>
    %dma_start3A_71 = arith.constant 0 : i32
    %dma_start3A_72 = arith.constant 0 : i32
    %dma_start3A_73 = tpu.memref_slice %arg2[%dma_start3A_71, %dma_start3A_72] : memref<1000000x64xf32, #tpu.memory_space<hbm>> -> memref<1000000x64xf32, #tpu.memory_space<hbm>>
    tpu.enqueue_indirect_dma source(%dma_start3A_73 : memref<1000000x64xf32, #tpu.memory_space<hbm>>) target(%dma_start3A_67 : memref<128x64xf32, #tpu.memory_space<vmem>>) offsets(%dma_start3A_70 : memref<128xi32, #tpu.memory_space<vmem>>) semaphore(%arg18 : memref<!tpu.dma_semaphore, #tpu.memory_space<semaphore_mem>>)
    %dma_start3A_74 = arith.constant 6 : i32
    %dma_start3A_75 = arith.constant 6 : i32
    %dma_start3A_76 = arith.constant 0 : i32
    %dma_start3A_77 = arith.constant 0 : i32
    %dma_start3A_78 = tpu.memref_slice %arg16[%dma_start3A_75, %dma_start3A_76, %dma_start3A_77] : memref<8x128x64xf32, #tpu.memory_space<vmem>> -> memref<1x128x64xf32, #tpu.memory_space<vmem>>
    %dma_start3A_79 = tpu.memref_squeeze %dma_start3A_78 : memref<1x128x64xf32, #tpu.memory_space<vmem>> -> memref<128x64xf32, #tpu.memory_space<vmem>>
    %dma_start3A_80 = arith.constant 0 : i32
    %dma_start3A_81 = tpu.memref_slice %arg12[%dma_start3A_74, %dma_start3A_80] : memref<50x128xi32, #tpu.memory_space<vmem>> -> memref<1x128xi32, #tpu.memory_space<vmem>>
    %dma_start3A_82 = tpu.memref_squeeze %dma_start3A_81 : memref<1x128xi32, #tpu.memory_space<vmem>> -> memref<128xi32, #tpu.memory_space<vmem>>
    %dma_start3A_83 = arith.constant 0 : i32
    %dma_start3A_84 = arith.constant 0 : i32
    %dma_start3A_85 = tpu.memref_slice %arg2[%dma_start3A_83, %dma_start3A_84] : memref<1000000x64xf32, #tpu.memory_space<hbm>> -> memref<1000000x64xf32, #tpu.memory_space<hbm>>
    tpu.enqueue_indirect_dma source(%dma_start3A_85 : memref<1000000x64xf32, #tpu.memory_space<hbm>>) target(%dma_start3A_79 : memref<128x64xf32, #tpu.memory_space<vmem>>) offsets(%dma_start3A_82 : memref<128xi32, #tpu.memory_space<vmem>>) semaphore(%arg18 : memref<!tpu.dma_semaphore, #tpu.memory_space<semaphore_mem>>)
    %dma_start3A_86 = arith.constant 7 : i32
    %dma_start3A_87 = arith.constant 7 : i32
    %dma_start3A_88 = arith.constant 0 : i32
    %dma_start3A_89 = arith.constant 0 : i32
    %dma_start3A_90 = tpu.memref_slice %arg16[%dma_start3A_87, %dma_start3A_88, %dma_start3A_89] : memref<8x128x64xf32, #tpu.memory_space<vmem>> -> memref<1x128x64xf32, #tpu.memory_space<vmem>>
    %dma_start3A_91 = tpu.memref_squeeze %dma_start3A_90 : memref<1x128x64xf32, #tpu.memory_space<vmem>> -> memref<128x64xf32, #tpu.memory_space<vmem>>
    %dma_start3A_92 = arith.constant 0 : i32
    %dma_start3A_93 = tpu.memref_slice %arg12[%dma_start3A_86, %dma_start3A_92] : memref<50x128xi32, #tpu.memory_space<vmem>> -> memref<1x128xi32, #tpu.memory_space<vmem>>
    %dma_start3A_94 = tpu.memref_squeeze %dma_start3A_93 : memref<1x128xi32, #tpu.memory_space<vmem>> -> memref<128xi32, #tpu.memory_space<vmem>>
    %dma_start3A_95 = arith.constant 0 : i32
    %dma_start3A_96 = arith.constant 0 : i32
    %dma_start3A_97 = tpu.memref_slice %arg2[%dma_start3A_95, %dma_start3A_96] : memref<1000000x64xf32, #tpu.memory_space<hbm>> -> memref<1000000x64xf32, #tpu.memory_space<hbm>>
    tpu.enqueue_indirect_dma source(%dma_start3A_97 : memref<1000000x64xf32, #tpu.memory_space<hbm>>) target(%dma_start3A_91 : memref<128x64xf32, #tpu.memory_space<vmem>>) offsets(%dma_start3A_94 : memref<128xi32, #tpu.memory_space<vmem>>) semaphore(%arg18 : memref<!tpu.dma_semaphore, #tpu.memory_space<semaphore_mem>>)
    %scan3A = arith.constant 0 : i32
    %scan3A_98 = arith.constant 0 : i32
    %scan3A_99 = arith.constant 50 : i32
    %scan3A_100 = arith.addi %scan3A_98, %scan3A_99 : i32
    %scan3A_101 = arith.constant 1 : i32
    scf.for %scan3A_526 = %scan3A_98 to %scan3A_100 step %scan3A_101  : i32 {
      %rem3A = arith.constant 8 : i32
      %rem3A_527 = arith.remsi %scan3A_526, %rem3A : i32
      %dma_wait3A_528 = arith.constant 0 : i32
      %dma_wait3A_529 = arith.constant 0 : i32
      %dma_wait3A_530 = tpu.memref_slice %arg16[%rem3A_527, %dma_wait3A_528, %dma_wait3A_529] : memref<8x128x64xf32, #tpu.memory_space<vmem>> -> memref<1x128x64xf32, #tpu.memory_space<vmem>>
      %dma_wait3A_531 = tpu.memref_squeeze %dma_wait3A_530 : memref<1x128x64xf32, #tpu.memory_space<vmem>> -> memref<128x64xf32, #tpu.memory_space<vmem>>
      %dma_wait3A_532 = arith.constant 0 : i32
      %dma_wait3A_533 = arith.constant 0 : i32
      %dma_wait3A_534 = tpu.memref_slice %arg16[%rem3A_527, %dma_wait3A_532, %dma_wait3A_533] : memref<8x128x64xf32, #tpu.memory_space<vmem>> -> memref<1x128x64xf32, #tpu.memory_space<vmem>>
      %dma_wait3A_535 = tpu.memref_squeeze %dma_wait3A_534 : memref<1x128x64xf32, #tpu.memory_space<vmem>> -> memref<128x64xf32, #tpu.memory_space<vmem>>
      tpu.wait_dma2 semaphore(%arg18 : memref<!tpu.dma_semaphore, #tpu.memory_space<semaphore_mem>>) src(%arg9 : memref<128x64xf32, #tpu.memory_space<hbm>>) dst(%dma_wait3A_535 : memref<128x64xf32, #tpu.memory_space<vmem>>)
      %dma_start3A_536 = arith.constant 0 : i32
      %dma_start3A_537 = arith.constant 0 : i32
      %dma_start3A_538 = tpu.memref_slice %arg16[%rem3A_527, %dma_start3A_536, %dma_start3A_537] : memref<8x128x64xf32, #tpu.memory_space<vmem>> -> memref<1x128x64xf32, #tpu.memory_space<vmem>>
      %dma_start3A_539 = tpu.memref_squeeze %dma_start3A_538 : memref<1x128x64xf32, #tpu.memory_space<vmem>> -> memref<128x64xf32, #tpu.memory_space<vmem>>
      %dma_start3A_540 = arith.constant 0 : i32
      %dma_start3A_541 = tpu.memref_slice %arg15[%scan3A_526, %dma_start3A_540] : memref<50x128xi32, #tpu.memory_space<vmem>> -> memref<1x128xi32, #tpu.memory_space<vmem>>
      %dma_start3A_542 = tpu.memref_squeeze %dma_start3A_541 : memref<1x128xi32, #tpu.memory_space<vmem>> -> memref<128xi32, #tpu.memory_space<vmem>>
      %dma_start3A_543 = arith.constant 0 : i32
      %dma_start3A_544 = arith.constant 0 : i32
      %dma_start3A_545 = tpu.memref_slice %arg17[%dma_start3A_543, %dma_start3A_544] : memref<2048x64xf32, #tpu.memory_space<vmem_shared>> -> memref<2048x64xf32, #tpu.memory_space<vmem_shared>>
      tpu.enqueue_indirect_dma source(%dma_start3A_539 : memref<128x64xf32, #tpu.memory_space<vmem>>) target(%dma_start3A_545 : memref<2048x64xf32, #tpu.memory_space<vmem_shared>>) offsets(%dma_start3A_542 : memref<128xi32, #tpu.memory_space<vmem>>) semaphore(%arg19 : memref<!tpu.dma_semaphore, #tpu.memory_space<semaphore_mem>>) {add = true}
      %add3A_546 = arith.constant 8 : i32
      %add3A_547 = arith.addi %scan3A_526, %add3A_546 : i32
      %lt3A = arith.constant 50 : i32
      %lt3A_548 = arith.cmpi slt, %add3A_547, %lt3A : i32
      %convert_element_type3A = arith.extui %lt3A_548 : i1 to i32
      %cond3A = arith.constant 0 : i32
      %cond3A_549 = arith.cmpi ne, %convert_element_type3A, %cond3A : i32
      scf.if %cond3A_549 {
        %dma_wait3A_550 = arith.constant 0 : i32
        %dma_wait3A_551 = arith.constant 0 : i32
        %dma_wait3A_552 = tpu.memref_slice %arg16[%rem3A_527, %dma_wait3A_550, %dma_wait3A_551] : memref<8x128x64xf32, #tpu.memory_space<vmem>> -> memref<1x128x64xf32, #tpu.memory_space<vmem>>
        %dma_wait3A_553 = tpu.memref_squeeze %dma_wait3A_552 : memref<1x128x64xf32, #tpu.memory_space<vmem>> -> memref<128x64xf32, #tpu.memory_space<vmem>>
        %dma_wait3A_554 = arith.constant 0 : i32
        %dma_wait3A_555 = arith.constant 0 : i32
        %dma_wait3A_556 = tpu.memref_slice %arg16[%rem3A_527, %dma_wait3A_554, %dma_wait3A_555] : memref<8x128x64xf32, #tpu.memory_space<vmem>> -> memref<1x128x64xf32, #tpu.memory_space<vmem>>
        %dma_wait3A_557 = tpu.memref_squeeze %dma_wait3A_556 : memref<1x128x64xf32, #tpu.memory_space<vmem>> -> memref<128x64xf32, #tpu.memory_space<vmem>>
        tpu.wait_dma2 semaphore(%arg19 : memref<!tpu.dma_semaphore, #tpu.memory_space<semaphore_mem>>) src(%arg9 : memref<128x64xf32, #tpu.memory_space<hbm>>) dst(%dma_wait3A_557 : memref<128x64xf32, #tpu.memory_space<vmem>>)
        %dma_start3A_558 = arith.constant 0 : i32
        %dma_start3A_559 = arith.constant 0 : i32
        %dma_start3A_560 = tpu.memref_slice %arg16[%rem3A_527, %dma_start3A_558, %dma_start3A_559] : memref<8x128x64xf32, #tpu.memory_space<vmem>> -> memref<1x128x64xf32, #tpu.memory_space<vmem>>
        %dma_start3A_561 = tpu.memref_squeeze %dma_start3A_560 : memref<1x128x64xf32, #tpu.memory_space<vmem>> -> memref<128x64xf32, #tpu.memory_space<vmem>>
        %dma_start3A_562 = arith.constant 0 : i32
        %dma_start3A_563 = tpu.memref_slice %arg12[%add3A_547, %dma_start3A_562] : memref<50x128xi32, #tpu.memory_space<vmem>> -> memref<1x128xi32, #tpu.memory_space<vmem>>
        %dma_start3A_564 = tpu.memref_squeeze %dma_start3A_563 : memref<1x128xi32, #tpu.memory_space<vmem>> -> memref<128xi32, #tpu.memory_space<vmem>>
        %dma_start3A_565 = arith.constant 0 : i32
        %dma_start3A_566 = arith.constant 0 : i32
        %dma_start3A_567 = tpu.memref_slice %arg2[%dma_start3A_565, %dma_start3A_566] : memref<1000000x64xf32, #tpu.memory_space<hbm>> -> memref<1000000x64xf32, #tpu.memory_space<hbm>>
        tpu.enqueue_indirect_dma source(%dma_start3A_567 : memref<1000000x64xf32, #tpu.memory_space<hbm>>) target(%dma_start3A_561 : memref<128x64xf32, #tpu.memory_space<vmem>>) offsets(%dma_start3A_564 : memref<128xi32, #tpu.memory_space<vmem>>) semaphore(%arg18 : memref<!tpu.dma_semaphore, #tpu.memory_space<semaphore_mem>>)
      } else {
      }
    }
    %scan3A_102 = arith.constant 50 : i32
    %dma_wait3A = arith.constant 0 : i32
    %dma_wait3A_103 = arith.constant 0 : i32
    %dma_wait3A_104 = arith.constant 0 : i32
    %dma_wait3A_105 = tpu.memref_slice %arg16[%dma_wait3A, %dma_wait3A_103, %dma_wait3A_104] : memref<8x128x64xf32, #tpu.memory_space<vmem>> -> memref<1x128x64xf32, #tpu.memory_space<vmem>>
    %dma_wait3A_106 = tpu.memref_squeeze %dma_wait3A_105 : memref<1x128x64xf32, #tpu.memory_space<vmem>> -> memref<128x64xf32, #tpu.memory_space<vmem>>
    %dma_wait3A_107 = arith.constant 0 : i32
    %dma_wait3A_108 = arith.constant 0 : i32
    %dma_wait3A_109 = tpu.memref_slice %arg16[%dma_wait3A, %dma_wait3A_107, %dma_wait3A_108] : memref<8x128x64xf32, #tpu.memory_space<vmem>> -> memref<1x128x64xf32, #tpu.memory_space<vmem>>
    %dma_wait3A_110 = tpu.memref_squeeze %dma_wait3A_109 : memref<1x128x64xf32, #tpu.memory_space<vmem>> -> memref<128x64xf32, #tpu.memory_space<vmem>>
    tpu.wait_dma2 semaphore(%arg19 : memref<!tpu.dma_semaphore, #tpu.memory_space<semaphore_mem>>) src(%arg9 : memref<128x64xf32, #tpu.memory_space<hbm>>) dst(%dma_wait3A_110 : memref<128x64xf32, #tpu.memory_space<vmem>>)
    %dma_wait3A_111 = arith.constant 0 : i32
    %dma_wait3A_112 = arith.constant 0 : i32
    %dma_wait3A_113 = arith.constant 0 : i32
    %dma_wait3A_114 = tpu.memref_slice %arg16[%dma_wait3A_111, %dma_wait3A_112, %dma_wait3A_113] : memref<8x128x64xf32, #tpu.memory_space<vmem>> -> memref<1x128x64xf32, #tpu.memory_space<vmem>>
    %dma_wait3A_115 = tpu.memref_squeeze %dma_wait3A_114 : memref<1x128x64xf32, #tpu.memory_space<vmem>> -> memref<128x64xf32, #tpu.memory_space<vmem>>
    %dma_wait3A_116 = arith.constant 0 : i32
    %dma_wait3A_117 = arith.constant 0 : i32
    %dma_wait3A_118 = tpu.memref_slice %arg16[%dma_wait3A_111, %dma_wait3A_116, %dma_wait3A_117] : memref<8x128x64xf32, #tpu.memory_space<vmem>> -> memref<1x128x64xf32, #tpu.memory_space<vmem>>
    %dma_wait3A_119 = tpu.memref_squeeze %dma_wait3A_118 : memref<1x128x64xf32, #tpu.memory_space<vmem>> -> memref<128x64xf32, #tpu.memory_space<vmem>>
    tpu.wait_dma2 semaphore(%arg19 : memref<!tpu.dma_semaphore, #tpu.memory_space<semaphore_mem>>) src(%arg9 : memref<128x64xf32, #tpu.memory_space<hbm>>) dst(%dma_wait3A_119 : memref<128x64xf32, #tpu.memory_space<vmem>>)
    %dma_wait3A_120 = arith.constant 0 : i32
    %dma_wait3A_121 = arith.constant 0 : i32
    %dma_wait3A_122 = arith.constant 0 : i32
    %dma_wait3A_123 = tpu.memref_slice %arg16[%dma_wait3A_120, %dma_wait3A_121, %dma_wait3A_122] : memref<8x128x64xf32, #tpu.memory_space<vmem>> -> memref<1x128x64xf32, #tpu.memory_space<vmem>>
    %dma_wait3A_124 = tpu.memref_squeeze %dma_wait3A_123 : memref<1x128x64xf32, #tpu.memory_space<vmem>> -> memref<128x64xf32, #tpu.memory_space<vmem>>
    %dma_wait3A_125 = arith.constant 0 : i32
    %dma_wait3A_126 = arith.constant 0 : i32
    %dma_wait3A_127 = tpu.memref_slice %arg16[%dma_wait3A_120, %dma_wait3A_125, %dma_wait3A_126] : memref<8x128x64xf32, #tpu.memory_space<vmem>> -> memref<1x128x64xf32, #tpu.memory_space<vmem>>
    %dma_wait3A_128 = tpu.memref_squeeze %dma_wait3A_127 : memref<1x128x64xf32, #tpu.memory_space<vmem>> -> memref<128x64xf32, #tpu.memory_space<vmem>>
    tpu.wait_dma2 semaphore(%arg19 : memref<!tpu.dma_semaphore, #tpu.memory_space<semaphore_mem>>) src(%arg9 : memref<128x64xf32, #tpu.memory_space<hbm>>) dst(%dma_wait3A_128 : memref<128x64xf32, #tpu.memory_space<vmem>>)
    %dma_wait3A_129 = arith.constant 0 : i32
    %dma_wait3A_130 = arith.constant 0 : i32
    %dma_wait3A_131 = arith.constant 0 : i32
    %dma_wait3A_132 = tpu.memref_slice %arg16[%dma_wait3A_129, %dma_wait3A_130, %dma_wait3A_131] : memref<8x128x64xf32, #tpu.memory_space<vmem>> -> memref<1x128x64xf32, #tpu.memory_space<vmem>>
    %dma_wait3A_133 = tpu.memref_squeeze %dma_wait3A_132 : memref<1x128x64xf32, #tpu.memory_space<vmem>> -> memref<128x64xf32, #tpu.memory_space<vmem>>
    %dma_wait3A_134 = arith.constant 0 : i32
    %dma_wait3A_135 = arith.constant 0 : i32
    %dma_wait3A_136 = tpu.memref_slice %arg16[%dma_wait3A_129, %dma_wait3A_134, %dma_wait3A_135] : memref<8x128x64xf32, #tpu.memory_space<vmem>> -> memref<1x128x64xf32, #tpu.memory_space<vmem>>
    %dma_wait3A_137 = tpu.memref_squeeze %dma_wait3A_136 : memref<1x128x64xf32, #tpu.memory_space<vmem>> -> memref<128x64xf32, #tpu.memory_space<vmem>>
    tpu.wait_dma2 semaphore(%arg19 : memref<!tpu.dma_semaphore, #tpu.memory_space<semaphore_mem>>) src(%arg9 : memref<128x64xf32, #tpu.memory_space<hbm>>) dst(%dma_wait3A_137 : memref<128x64xf32, #tpu.memory_space<vmem>>)
    %dma_wait3A_138 = arith.constant 0 : i32
    %dma_wait3A_139 = arith.constant 0 : i32
    %dma_wait3A_140 = arith.constant 0 : i32
    %dma_wait3A_141 = tpu.memref_slice %arg16[%dma_wait3A_138, %dma_wait3A_139, %dma_wait3A_140] : memref<8x128x64xf32, #tpu.memory_space<vmem>> -> memref<1x128x64xf32, #tpu.memory_space<vmem>>
    %dma_wait3A_142 = tpu.memref_squeeze %dma_wait3A_141 : memref<1x128x64xf32, #tpu.memory_space<vmem>> -> memref<128x64xf32, #tpu.memory_space<vmem>>
    %dma_wait3A_143 = arith.constant 0 : i32
    %dma_wait3A_144 = arith.constant 0 : i32
    %dma_wait3A_145 = tpu.memref_slice %arg16[%dma_wait3A_138, %dma_wait3A_143, %dma_wait3A_144] : memref<8x128x64xf32, #tpu.memory_space<vmem>> -> memref<1x128x64xf32, #tpu.memory_space<vmem>>
    %dma_wait3A_146 = tpu.memref_squeeze %dma_wait3A_145 : memref<1x128x64xf32, #tpu.memory_space<vmem>> -> memref<128x64xf32, #tpu.memory_space<vmem>>
    tpu.wait_dma2 semaphore(%arg19 : memref<!tpu.dma_semaphore, #tpu.memory_space<semaphore_mem>>) src(%arg9 : memref<128x64xf32, #tpu.memory_space<hbm>>) dst(%dma_wait3A_146 : memref<128x64xf32, #tpu.memory_space<vmem>>)
    %dma_wait3A_147 = arith.constant 0 : i32
    %dma_wait3A_148 = arith.constant 0 : i32
    %dma_wait3A_149 = arith.constant 0 : i32
    %dma_wait3A_150 = tpu.memref_slice %arg16[%dma_wait3A_147, %dma_wait3A_148, %dma_wait3A_149] : memref<8x128x64xf32, #tpu.memory_space<vmem>> -> memref<1x128x64xf32, #tpu.memory_space<vmem>>
    %dma_wait3A_151 = tpu.memref_squeeze %dma_wait3A_150 : memref<1x128x64xf32, #tpu.memory_space<vmem>> -> memref<128x64xf32, #tpu.memory_space<vmem>>
    %dma_wait3A_152 = arith.constant 0 : i32
    %dma_wait3A_153 = arith.constant 0 : i32
    %dma_wait3A_154 = tpu.memref_slice %arg16[%dma_wait3A_147, %dma_wait3A_152, %dma_wait3A_153] : memref<8x128x64xf32, #tpu.memory_space<vmem>> -> memref<1x128x64xf32, #tpu.memory_space<vmem>>
    %dma_wait3A_155 = tpu.memref_squeeze %dma_wait3A_154 : memref<1x128x64xf32, #tpu.memory_space<vmem>> -> memref<128x64xf32, #tpu.memory_space<vmem>>
    tpu.wait_dma2 semaphore(%arg19 : memref<!tpu.dma_semaphore, #tpu.memory_space<semaphore_mem>>) src(%arg9 : memref<128x64xf32, #tpu.memory_space<hbm>>) dst(%dma_wait3A_155 : memref<128x64xf32, #tpu.memory_space<vmem>>)
    %dma_wait3A_156 = arith.constant 0 : i32
    %dma_wait3A_157 = arith.constant 0 : i32
    %dma_wait3A_158 = arith.constant 0 : i32
    %dma_wait3A_159 = tpu.memref_slice %arg16[%dma_wait3A_156, %dma_wait3A_157, %dma_wait3A_158] : memref<8x128x64xf32, #tpu.memory_space<vmem>> -> memref<1x128x64xf32, #tpu.memory_space<vmem>>
    %dma_wait3A_160 = tpu.memref_squeeze %dma_wait3A_159 : memref<1x128x64xf32, #tpu.memory_space<vmem>> -> memref<128x64xf32, #tpu.memory_space<vmem>>
    %dma_wait3A_161 = arith.constant 0 : i32
    %dma_wait3A_162 = arith.constant 0 : i32
    %dma_wait3A_163 = tpu.memref_slice %arg16[%dma_wait3A_156, %dma_wait3A_161, %dma_wait3A_162] : memref<8x128x64xf32, #tpu.memory_space<vmem>> -> memref<1x128x64xf32, #tpu.memory_space<vmem>>
    %dma_wait3A_164 = tpu.memref_squeeze %dma_wait3A_163 : memref<1x128x64xf32, #tpu.memory_space<vmem>> -> memref<128x64xf32, #tpu.memory_space<vmem>>
    tpu.wait_dma2 semaphore(%arg19 : memref<!tpu.dma_semaphore, #tpu.memory_space<semaphore_mem>>) src(%arg9 : memref<128x64xf32, #tpu.memory_space<hbm>>) dst(%dma_wait3A_164 : memref<128x64xf32, #tpu.memory_space<vmem>>)
    %dma_wait3A_165 = arith.constant 0 : i32
    %dma_wait3A_166 = arith.constant 0 : i32
    %dma_wait3A_167 = arith.constant 0 : i32
    %dma_wait3A_168 = tpu.memref_slice %arg16[%dma_wait3A_165, %dma_wait3A_166, %dma_wait3A_167] : memref<8x128x64xf32, #tpu.memory_space<vmem>> -> memref<1x128x64xf32, #tpu.memory_space<vmem>>
    %dma_wait3A_169 = tpu.memref_squeeze %dma_wait3A_168 : memref<1x128x64xf32, #tpu.memory_space<vmem>> -> memref<128x64xf32, #tpu.memory_space<vmem>>
    %dma_wait3A_170 = arith.constant 0 : i32
    %dma_wait3A_171 = arith.constant 0 : i32
    %dma_wait3A_172 = tpu.memref_slice %arg16[%dma_wait3A_165, %dma_wait3A_170, %dma_wait3A_171] : memref<8x128x64xf32, #tpu.memory_space<vmem>> -> memref<1x128x64xf32, #tpu.memory_space<vmem>>
    %dma_wait3A_173 = tpu.memref_squeeze %dma_wait3A_172 : memref<1x128x64xf32, #tpu.memory_space<vmem>> -> memref<128x64xf32, #tpu.memory_space<vmem>>
    tpu.wait_dma2 semaphore(%arg19 : memref<!tpu.dma_semaphore, #tpu.memory_space<semaphore_mem>>) src(%arg9 : memref<128x64xf32, #tpu.memory_space<hbm>>) dst(%dma_wait3A_173 : memref<128x64xf32, #tpu.memory_space<vmem>>)
    %dma_start3A_174 = arith.constant 0 : i32
    %dma_start3A_175 = arith.constant 0 : i32
    %dma_start3A_176 = arith.constant 0 : i32
    %dma_start3A_177 = arith.constant 0 : i32
    %dma_start3A_178 = tpu.memref_slice %arg16[%dma_start3A_175, %dma_start3A_176, %dma_start3A_177] : memref<8x128x64xf32, #tpu.memory_space<vmem>> -> memref<1x128x64xf32, #tpu.memory_space<vmem>>
    %dma_start3A_179 = tpu.memref_squeeze %dma_start3A_178 : memref<1x128x64xf32, #tpu.memory_space<vmem>> -> memref<128x64xf32, #tpu.memory_space<vmem>>
    %dma_start3A_180 = arith.constant 0 : i32
    %dma_start3A_181 = tpu.memref_slice %arg13[%dma_start3A_174, %dma_start3A_180] : memref<50x128xi32, #tpu.memory_space<vmem>> -> memref<1x128xi32, #tpu.memory_space<vmem>>
    %dma_start3A_182 = tpu.memref_squeeze %dma_start3A_181 : memref<1x128xi32, #tpu.memory_space<vmem>> -> memref<128xi32, #tpu.memory_space<vmem>>
    %dma_start3A_183 = arith.constant 0 : i32
    %dma_start3A_184 = arith.constant 0 : i32
    %dma_start3A_185 = tpu.memref_slice %arg3[%dma_start3A_183, %dma_start3A_184] : memref<100000x64xf32, #tpu.memory_space<hbm>> -> memref<100000x64xf32, #tpu.memory_space<hbm>>
    tpu.enqueue_indirect_dma source(%dma_start3A_185 : memref<100000x64xf32, #tpu.memory_space<hbm>>) target(%dma_start3A_179 : memref<128x64xf32, #tpu.memory_space<vmem>>) offsets(%dma_start3A_182 : memref<128xi32, #tpu.memory_space<vmem>>) semaphore(%arg18 : memref<!tpu.dma_semaphore, #tpu.memory_space<semaphore_mem>>)
    %dma_start3A_186 = arith.constant 1 : i32
    %dma_start3A_187 = arith.constant 1 : i32
    %dma_start3A_188 = arith.constant 0 : i32
    %dma_start3A_189 = arith.constant 0 : i32
    %dma_start3A_190 = tpu.memref_slice %arg16[%dma_start3A_187, %dma_start3A_188, %dma_start3A_189] : memref<8x128x64xf32, #tpu.memory_space<vmem>> -> memref<1x128x64xf32, #tpu.memory_space<vmem>>
    %dma_start3A_191 = tpu.memref_squeeze %dma_start3A_190 : memref<1x128x64xf32, #tpu.memory_space<vmem>> -> memref<128x64xf32, #tpu.memory_space<vmem>>
    %dma_start3A_192 = arith.constant 0 : i32
    %dma_start3A_193 = tpu.memref_slice %arg13[%dma_start3A_186, %dma_start3A_192] : memref<50x128xi32, #tpu.memory_space<vmem>> -> memref<1x128xi32, #tpu.memory_space<vmem>>
    %dma_start3A_194 = tpu.memref_squeeze %dma_start3A_193 : memref<1x128xi32, #tpu.memory_space<vmem>> -> memref<128xi32, #tpu.memory_space<vmem>>
    %dma_start3A_195 = arith.constant 0 : i32
    %dma_start3A_196 = arith.constant 0 : i32
    %dma_start3A_197 = tpu.memref_slice %arg3[%dma_start3A_195, %dma_start3A_196] : memref<100000x64xf32, #tpu.memory_space<hbm>> -> memref<100000x64xf32, #tpu.memory_space<hbm>>
    tpu.enqueue_indirect_dma source(%dma_start3A_197 : memref<100000x64xf32, #tpu.memory_space<hbm>>) target(%dma_start3A_191 : memref<128x64xf32, #tpu.memory_space<vmem>>) offsets(%dma_start3A_194 : memref<128xi32, #tpu.memory_space<vmem>>) semaphore(%arg18 : memref<!tpu.dma_semaphore, #tpu.memory_space<semaphore_mem>>)
    %dma_start3A_198 = arith.constant 2 : i32
    %dma_start3A_199 = arith.constant 2 : i32
    %dma_start3A_200 = arith.constant 0 : i32
    %dma_start3A_201 = arith.constant 0 : i32
    %dma_start3A_202 = tpu.memref_slice %arg16[%dma_start3A_199, %dma_start3A_200, %dma_start3A_201] : memref<8x128x64xf32, #tpu.memory_space<vmem>> -> memref<1x128x64xf32, #tpu.memory_space<vmem>>
    %dma_start3A_203 = tpu.memref_squeeze %dma_start3A_202 : memref<1x128x64xf32, #tpu.memory_space<vmem>> -> memref<128x64xf32, #tpu.memory_space<vmem>>
    %dma_start3A_204 = arith.constant 0 : i32
    %dma_start3A_205 = tpu.memref_slice %arg13[%dma_start3A_198, %dma_start3A_204] : memref<50x128xi32, #tpu.memory_space<vmem>> -> memref<1x128xi32, #tpu.memory_space<vmem>>
    %dma_start3A_206 = tpu.memref_squeeze %dma_start3A_205 : memref<1x128xi32, #tpu.memory_space<vmem>> -> memref<128xi32, #tpu.memory_space<vmem>>
    %dma_start3A_207 = arith.constant 0 : i32
    %dma_start3A_208 = arith.constant 0 : i32
    %dma_start3A_209 = tpu.memref_slice %arg3[%dma_start3A_207, %dma_start3A_208] : memref<100000x64xf32, #tpu.memory_space<hbm>> -> memref<100000x64xf32, #tpu.memory_space<hbm>>
    tpu.enqueue_indirect_dma source(%dma_start3A_209 : memref<100000x64xf32, #tpu.memory_space<hbm>>) target(%dma_start3A_203 : memref<128x64xf32, #tpu.memory_space<vmem>>) offsets(%dma_start3A_206 : memref<128xi32, #tpu.memory_space<vmem>>) semaphore(%arg18 : memref<!tpu.dma_semaphore, #tpu.memory_space<semaphore_mem>>)
    %dma_start3A_210 = arith.constant 3 : i32
    %dma_start3A_211 = arith.constant 3 : i32
    %dma_start3A_212 = arith.constant 0 : i32
    %dma_start3A_213 = arith.constant 0 : i32
    %dma_start3A_214 = tpu.memref_slice %arg16[%dma_start3A_211, %dma_start3A_212, %dma_start3A_213] : memref<8x128x64xf32, #tpu.memory_space<vmem>> -> memref<1x128x64xf32, #tpu.memory_space<vmem>>
    %dma_start3A_215 = tpu.memref_squeeze %dma_start3A_214 : memref<1x128x64xf32, #tpu.memory_space<vmem>> -> memref<128x64xf32, #tpu.memory_space<vmem>>
    %dma_start3A_216 = arith.constant 0 : i32
    %dma_start3A_217 = tpu.memref_slice %arg13[%dma_start3A_210, %dma_start3A_216] : memref<50x128xi32, #tpu.memory_space<vmem>> -> memref<1x128xi32, #tpu.memory_space<vmem>>
    %dma_start3A_218 = tpu.memref_squeeze %dma_start3A_217 : memref<1x128xi32, #tpu.memory_space<vmem>> -> memref<128xi32, #tpu.memory_space<vmem>>
    %dma_start3A_219 = arith.constant 0 : i32
    %dma_start3A_220 = arith.constant 0 : i32
    %dma_start3A_221 = tpu.memref_slice %arg3[%dma_start3A_219, %dma_start3A_220] : memref<100000x64xf32, #tpu.memory_space<hbm>> -> memref<100000x64xf32, #tpu.memory_space<hbm>>
    tpu.enqueue_indirect_dma source(%dma_start3A_221 : memref<100000x64xf32, #tpu.memory_space<hbm>>) target(%dma_start3A_215 : memref<128x64xf32, #tpu.memory_space<vmem>>) offsets(%dma_start3A_218 : memref<128xi32, #tpu.memory_space<vmem>>) semaphore(%arg18 : memref<!tpu.dma_semaphore, #tpu.memory_space<semaphore_mem>>)
    %dma_start3A_222 = arith.constant 4 : i32
    %dma_start3A_223 = arith.constant 4 : i32
    %dma_start3A_224 = arith.constant 0 : i32
    %dma_start3A_225 = arith.constant 0 : i32
    %dma_start3A_226 = tpu.memref_slice %arg16[%dma_start3A_223, %dma_start3A_224, %dma_start3A_225] : memref<8x128x64xf32, #tpu.memory_space<vmem>> -> memref<1x128x64xf32, #tpu.memory_space<vmem>>
    %dma_start3A_227 = tpu.memref_squeeze %dma_start3A_226 : memref<1x128x64xf32, #tpu.memory_space<vmem>> -> memref<128x64xf32, #tpu.memory_space<vmem>>
    %dma_start3A_228 = arith.constant 0 : i32
    %dma_start3A_229 = tpu.memref_slice %arg13[%dma_start3A_222, %dma_start3A_228] : memref<50x128xi32, #tpu.memory_space<vmem>> -> memref<1x128xi32, #tpu.memory_space<vmem>>
    %dma_start3A_230 = tpu.memref_squeeze %dma_start3A_229 : memref<1x128xi32, #tpu.memory_space<vmem>> -> memref<128xi32, #tpu.memory_space<vmem>>
    %dma_start3A_231 = arith.constant 0 : i32
    %dma_start3A_232 = arith.constant 0 : i32
    %dma_start3A_233 = tpu.memref_slice %arg3[%dma_start3A_231, %dma_start3A_232] : memref<100000x64xf32, #tpu.memory_space<hbm>> -> memref<100000x64xf32, #tpu.memory_space<hbm>>
    tpu.enqueue_indirect_dma source(%dma_start3A_233 : memref<100000x64xf32, #tpu.memory_space<hbm>>) target(%dma_start3A_227 : memref<128x64xf32, #tpu.memory_space<vmem>>) offsets(%dma_start3A_230 : memref<128xi32, #tpu.memory_space<vmem>>) semaphore(%arg18 : memref<!tpu.dma_semaphore, #tpu.memory_space<semaphore_mem>>)
    %dma_start3A_234 = arith.constant 5 : i32
    %dma_start3A_235 = arith.constant 5 : i32
    %dma_start3A_236 = arith.constant 0 : i32
    %dma_start3A_237 = arith.constant 0 : i32
    %dma_start3A_238 = tpu.memref_slice %arg16[%dma_start3A_235, %dma_start3A_236, %dma_start3A_237] : memref<8x128x64xf32, #tpu.memory_space<vmem>> -> memref<1x128x64xf32, #tpu.memory_space<vmem>>
    %dma_start3A_239 = tpu.memref_squeeze %dma_start3A_238 : memref<1x128x64xf32, #tpu.memory_space<vmem>> -> memref<128x64xf32, #tpu.memory_space<vmem>>
    %dma_start3A_240 = arith.constant 0 : i32
    %dma_start3A_241 = tpu.memref_slice %arg13[%dma_start3A_234, %dma_start3A_240] : memref<50x128xi32, #tpu.memory_space<vmem>> -> memref<1x128xi32, #tpu.memory_space<vmem>>
    %dma_start3A_242 = tpu.memref_squeeze %dma_start3A_241 : memref<1x128xi32, #tpu.memory_space<vmem>> -> memref<128xi32, #tpu.memory_space<vmem>>
    %dma_start3A_243 = arith.constant 0 : i32
    %dma_start3A_244 = arith.constant 0 : i32
    %dma_start3A_245 = tpu.memref_slice %arg3[%dma_start3A_243, %dma_start3A_244] : memref<100000x64xf32, #tpu.memory_space<hbm>> -> memref<100000x64xf32, #tpu.memory_space<hbm>>
    tpu.enqueue_indirect_dma source(%dma_start3A_245 : memref<100000x64xf32, #tpu.memory_space<hbm>>) target(%dma_start3A_239 : memref<128x64xf32, #tpu.memory_space<vmem>>) offsets(%dma_start3A_242 : memref<128xi32, #tpu.memory_space<vmem>>) semaphore(%arg18 : memref<!tpu.dma_semaphore, #tpu.memory_space<semaphore_mem>>)
    %dma_start3A_246 = arith.constant 6 : i32
    %dma_start3A_247 = arith.constant 6 : i32
    %dma_start3A_248 = arith.constant 0 : i32
    %dma_start3A_249 = arith.constant 0 : i32
    %dma_start3A_250 = tpu.memref_slice %arg16[%dma_start3A_247, %dma_start3A_248, %dma_start3A_249] : memref<8x128x64xf32, #tpu.memory_space<vmem>> -> memref<1x128x64xf32, #tpu.memory_space<vmem>>
    %dma_start3A_251 = tpu.memref_squeeze %dma_start3A_250 : memref<1x128x64xf32, #tpu.memory_space<vmem>> -> memref<128x64xf32, #tpu.memory_space<vmem>>
    %dma_start3A_252 = arith.constant 0 : i32
    %dma_start3A_253 = tpu.memref_slice %arg13[%dma_start3A_246, %dma_start3A_252] : memref<50x128xi32, #tpu.memory_space<vmem>> -> memref<1x128xi32, #tpu.memory_space<vmem>>
    %dma_start3A_254 = tpu.memref_squeeze %dma_start3A_253 : memref<1x128xi32, #tpu.memory_space<vmem>> -> memref<128xi32, #tpu.memory_space<vmem>>
    %dma_start3A_255 = arith.constant 0 : i32
    %dma_start3A_256 = arith.constant 0 : i32
    %dma_start3A_257 = tpu.memref_slice %arg3[%dma_start3A_255, %dma_start3A_256] : memref<100000x64xf32, #tpu.memory_space<hbm>> -> memref<100000x64xf32, #tpu.memory_space<hbm>>
    tpu.enqueue_indirect_dma source(%dma_start3A_257 : memref<100000x64xf32, #tpu.memory_space<hbm>>) target(%dma_start3A_251 : memref<128x64xf32, #tpu.memory_space<vmem>>) offsets(%dma_start3A_254 : memref<128xi32, #tpu.memory_space<vmem>>) semaphore(%arg18 : memref<!tpu.dma_semaphore, #tpu.memory_space<semaphore_mem>>)
    %dma_start3A_258 = arith.constant 7 : i32
    %dma_start3A_259 = arith.constant 7 : i32
    %dma_start3A_260 = arith.constant 0 : i32
    %dma_start3A_261 = arith.constant 0 : i32
    %dma_start3A_262 = tpu.memref_slice %arg16[%dma_start3A_259, %dma_start3A_260, %dma_start3A_261] : memref<8x128x64xf32, #tpu.memory_space<vmem>> -> memref<1x128x64xf32, #tpu.memory_space<vmem>>
    %dma_start3A_263 = tpu.memref_squeeze %dma_start3A_262 : memref<1x128x64xf32, #tpu.memory_space<vmem>> -> memref<128x64xf32, #tpu.memory_space<vmem>>
    %dma_start3A_264 = arith.constant 0 : i32
    %dma_start3A_265 = tpu.memref_slice %arg13[%dma_start3A_258, %dma_start3A_264] : memref<50x128xi32, #tpu.memory_space<vmem>> -> memref<1x128xi32, #tpu.memory_space<vmem>>
    %dma_start3A_266 = tpu.memref_squeeze %dma_start3A_265 : memref<1x128xi32, #tpu.memory_space<vmem>> -> memref<128xi32, #tpu.memory_space<vmem>>
    %dma_start3A_267 = arith.constant 0 : i32
    %dma_start3A_268 = arith.constant 0 : i32
    %dma_start3A_269 = tpu.memref_slice %arg3[%dma_start3A_267, %dma_start3A_268] : memref<100000x64xf32, #tpu.memory_space<hbm>> -> memref<100000x64xf32, #tpu.memory_space<hbm>>
    tpu.enqueue_indirect_dma source(%dma_start3A_269 : memref<100000x64xf32, #tpu.memory_space<hbm>>) target(%dma_start3A_263 : memref<128x64xf32, #tpu.memory_space<vmem>>) offsets(%dma_start3A_266 : memref<128xi32, #tpu.memory_space<vmem>>) semaphore(%arg18 : memref<!tpu.dma_semaphore, #tpu.memory_space<semaphore_mem>>)
    %scan3A_270 = arith.constant 0 : i32
    %scan3A_271 = arith.constant 0 : i32
    %scan3A_272 = arith.constant 50 : i32
    %scan3A_273 = arith.addi %scan3A_271, %scan3A_272 : i32
    %scan3A_274 = arith.constant 1 : i32
    scf.for %scan3A_526 = %scan3A_271 to %scan3A_273 step %scan3A_274  : i32 {
      %rem3A = arith.constant 8 : i32
      %rem3A_527 = arith.remsi %scan3A_526, %rem3A : i32
      %dma_wait3A_528 = arith.constant 0 : i32
      %dma_wait3A_529 = arith.constant 0 : i32
      %dma_wait3A_530 = tpu.memref_slice %arg16[%rem3A_527, %dma_wait3A_528, %dma_wait3A_529] : memref<8x128x64xf32, #tpu.memory_space<vmem>> -> memref<1x128x64xf32, #tpu.memory_space<vmem>>
      %dma_wait3A_531 = tpu.memref_squeeze %dma_wait3A_530 : memref<1x128x64xf32, #tpu.memory_space<vmem>> -> memref<128x64xf32, #tpu.memory_space<vmem>>
      %dma_wait3A_532 = arith.constant 0 : i32
      %dma_wait3A_533 = arith.constant 0 : i32
      %dma_wait3A_534 = tpu.memref_slice %arg16[%rem3A_527, %dma_wait3A_532, %dma_wait3A_533] : memref<8x128x64xf32, #tpu.memory_space<vmem>> -> memref<1x128x64xf32, #tpu.memory_space<vmem>>
      %dma_wait3A_535 = tpu.memref_squeeze %dma_wait3A_534 : memref<1x128x64xf32, #tpu.memory_space<vmem>> -> memref<128x64xf32, #tpu.memory_space<vmem>>
      tpu.wait_dma2 semaphore(%arg18 : memref<!tpu.dma_semaphore, #tpu.memory_space<semaphore_mem>>) src(%arg9 : memref<128x64xf32, #tpu.memory_space<hbm>>) dst(%dma_wait3A_535 : memref<128x64xf32, #tpu.memory_space<vmem>>)
      %dma_start3A_536 = arith.constant 0 : i32
      %dma_start3A_537 = arith.constant 0 : i32
      %dma_start3A_538 = tpu.memref_slice %arg16[%rem3A_527, %dma_start3A_536, %dma_start3A_537] : memref<8x128x64xf32, #tpu.memory_space<vmem>> -> memref<1x128x64xf32, #tpu.memory_space<vmem>>
      %dma_start3A_539 = tpu.memref_squeeze %dma_start3A_538 : memref<1x128x64xf32, #tpu.memory_space<vmem>> -> memref<128x64xf32, #tpu.memory_space<vmem>>
      %dma_start3A_540 = arith.constant 0 : i32
      %dma_start3A_541 = tpu.memref_slice %arg15[%scan3A_526, %dma_start3A_540] : memref<50x128xi32, #tpu.memory_space<vmem>> -> memref<1x128xi32, #tpu.memory_space<vmem>>
      %dma_start3A_542 = tpu.memref_squeeze %dma_start3A_541 : memref<1x128xi32, #tpu.memory_space<vmem>> -> memref<128xi32, #tpu.memory_space<vmem>>
      %dma_start3A_543 = arith.constant 0 : i32
      %dma_start3A_544 = arith.constant 0 : i32
      %dma_start3A_545 = tpu.memref_slice %arg17[%dma_start3A_543, %dma_start3A_544] : memref<2048x64xf32, #tpu.memory_space<vmem_shared>> -> memref<2048x64xf32, #tpu.memory_space<vmem_shared>>
      tpu.enqueue_indirect_dma source(%dma_start3A_539 : memref<128x64xf32, #tpu.memory_space<vmem>>) target(%dma_start3A_545 : memref<2048x64xf32, #tpu.memory_space<vmem_shared>>) offsets(%dma_start3A_542 : memref<128xi32, #tpu.memory_space<vmem>>) semaphore(%arg19 : memref<!tpu.dma_semaphore, #tpu.memory_space<semaphore_mem>>) {add = true}
      %add3A_546 = arith.constant 8 : i32
      %add3A_547 = arith.addi %scan3A_526, %add3A_546 : i32
      %lt3A = arith.constant 50 : i32
      %lt3A_548 = arith.cmpi slt, %add3A_547, %lt3A : i32
      %convert_element_type3A = arith.extui %lt3A_548 : i1 to i32
      %cond3A = arith.constant 0 : i32
      %cond3A_549 = arith.cmpi ne, %convert_element_type3A, %cond3A : i32
      scf.if %cond3A_549 {
        %dma_wait3A_550 = arith.constant 0 : i32
        %dma_wait3A_551 = arith.constant 0 : i32
        %dma_wait3A_552 = tpu.memref_slice %arg16[%rem3A_527, %dma_wait3A_550, %dma_wait3A_551] : memref<8x128x64xf32, #tpu.memory_space<vmem>> -> memref<1x128x64xf32, #tpu.memory_space<vmem>>
        %dma_wait3A_553 = tpu.memref_squeeze %dma_wait3A_552 : memref<1x128x64xf32, #tpu.memory_space<vmem>> -> memref<128x64xf32, #tpu.memory_space<vmem>>
        %dma_wait3A_554 = arith.constant 0 : i32
        %dma_wait3A_555 = arith.constant 0 : i32
        %dma_wait3A_556 = tpu.memref_slice %arg16[%rem3A_527, %dma_wait3A_554, %dma_wait3A_555] : memref<8x128x64xf32, #tpu.memory_space<vmem>> -> memref<1x128x64xf32, #tpu.memory_space<vmem>>
        %dma_wait3A_557 = tpu.memref_squeeze %dma_wait3A_556 : memref<1x128x64xf32, #tpu.memory_space<vmem>> -> memref<128x64xf32, #tpu.memory_space<vmem>>
        tpu.wait_dma2 semaphore(%arg19 : memref<!tpu.dma_semaphore, #tpu.memory_space<semaphore_mem>>) src(%arg9 : memref<128x64xf32, #tpu.memory_space<hbm>>) dst(%dma_wait3A_557 : memref<128x64xf32, #tpu.memory_space<vmem>>)
        %dma_start3A_558 = arith.constant 0 : i32
        %dma_start3A_559 = arith.constant 0 : i32
        %dma_start3A_560 = tpu.memref_slice %arg16[%rem3A_527, %dma_start3A_558, %dma_start3A_559] : memref<8x128x64xf32, #tpu.memory_space<vmem>> -> memref<1x128x64xf32, #tpu.memory_space<vmem>>
        %dma_start3A_561 = tpu.memref_squeeze %dma_start3A_560 : memref<1x128x64xf32, #tpu.memory_space<vmem>> -> memref<128x64xf32, #tpu.memory_space<vmem>>
        %dma_start3A_562 = arith.constant 0 : i32
        %dma_start3A_563 = tpu.memref_slice %arg13[%add3A_547, %dma_start3A_562] : memref<50x128xi32, #tpu.memory_space<vmem>> -> memref<1x128xi32, #tpu.memory_space<vmem>>
        %dma_start3A_564 = tpu.memref_squeeze %dma_start3A_563 : memref<1x128xi32, #tpu.memory_space<vmem>> -> memref<128xi32, #tpu.memory_space<vmem>>
        %dma_start3A_565 = arith.constant 0 : i32
        %dma_start3A_566 = arith.constant 0 : i32
        %dma_start3A_567 = tpu.memref_slice %arg3[%dma_start3A_565, %dma_start3A_566] : memref<100000x64xf32, #tpu.memory_space<hbm>> -> memref<100000x64xf32, #tpu.memory_space<hbm>>
        tpu.enqueue_indirect_dma source(%dma_start3A_567 : memref<100000x64xf32, #tpu.memory_space<hbm>>) target(%dma_start3A_561 : memref<128x64xf32, #tpu.memory_space<vmem>>) offsets(%dma_start3A_564 : memref<128xi32, #tpu.memory_space<vmem>>) semaphore(%arg18 : memref<!tpu.dma_semaphore, #tpu.memory_space<semaphore_mem>>)
      } else {
      }
    }
    %scan3A_275 = arith.constant 50 : i32
    %dma_wait3A_276 = arith.constant 0 : i32
    %dma_wait3A_277 = arith.constant 0 : i32
    %dma_wait3A_278 = arith.constant 0 : i32
    %dma_wait3A_279 = tpu.memref_slice %arg16[%dma_wait3A_276, %dma_wait3A_277, %dma_wait3A_278] : memref<8x128x64xf32, #tpu.memory_space<vmem>> -> memref<1x128x64xf32, #tpu.memory_space<vmem>>
    %dma_wait3A_280 = tpu.memref_squeeze %dma_wait3A_279 : memref<1x128x64xf32, #tpu.memory_space<vmem>> -> memref<128x64xf32, #tpu.memory_space<vmem>>
    %dma_wait3A_281 = arith.constant 0 : i32
    %dma_wait3A_282 = arith.constant 0 : i32
    %dma_wait3A_283 = tpu.memref_slice %arg16[%dma_wait3A_276, %dma_wait3A_281, %dma_wait3A_282] : memref<8x128x64xf32, #tpu.memory_space<vmem>> -> memref<1x128x64xf32, #tpu.memory_space<vmem>>
    %dma_wait3A_284 = tpu.memref_squeeze %dma_wait3A_283 : memref<1x128x64xf32, #tpu.memory_space<vmem>> -> memref<128x64xf32, #tpu.memory_space<vmem>>
    tpu.wait_dma2 semaphore(%arg19 : memref<!tpu.dma_semaphore, #tpu.memory_space<semaphore_mem>>) src(%arg9 : memref<128x64xf32, #tpu.memory_space<hbm>>) dst(%dma_wait3A_284 : memref<128x64xf32, #tpu.memory_space<vmem>>)
    %dma_wait3A_285 = arith.constant 0 : i32
    %dma_wait3A_286 = arith.constant 0 : i32
    %dma_wait3A_287 = arith.constant 0 : i32
    %dma_wait3A_288 = tpu.memref_slice %arg16[%dma_wait3A_285, %dma_wait3A_286, %dma_wait3A_287] : memref<8x128x64xf32, #tpu.memory_space<vmem>> -> memref<1x128x64xf32, #tpu.memory_space<vmem>>
    %dma_wait3A_289 = tpu.memref_squeeze %dma_wait3A_288 : memref<1x128x64xf32, #tpu.memory_space<vmem>> -> memref<128x64xf32, #tpu.memory_space<vmem>>
    %dma_wait3A_290 = arith.constant 0 : i32
    %dma_wait3A_291 = arith.constant 0 : i32
    %dma_wait3A_292 = tpu.memref_slice %arg16[%dma_wait3A_285, %dma_wait3A_290, %dma_wait3A_291] : memref<8x128x64xf32, #tpu.memory_space<vmem>> -> memref<1x128x64xf32, #tpu.memory_space<vmem>>
    %dma_wait3A_293 = tpu.memref_squeeze %dma_wait3A_292 : memref<1x128x64xf32, #tpu.memory_space<vmem>> -> memref<128x64xf32, #tpu.memory_space<vmem>>
    tpu.wait_dma2 semaphore(%arg19 : memref<!tpu.dma_semaphore, #tpu.memory_space<semaphore_mem>>) src(%arg9 : memref<128x64xf32, #tpu.memory_space<hbm>>) dst(%dma_wait3A_293 : memref<128x64xf32, #tpu.memory_space<vmem>>)
    %dma_wait3A_294 = arith.constant 0 : i32
    %dma_wait3A_295 = arith.constant 0 : i32
    %dma_wait3A_296 = arith.constant 0 : i32
    %dma_wait3A_297 = tpu.memref_slice %arg16[%dma_wait3A_294, %dma_wait3A_295, %dma_wait3A_296] : memref<8x128x64xf32, #tpu.memory_space<vmem>> -> memref<1x128x64xf32, #tpu.memory_space<vmem>>
    %dma_wait3A_298 = tpu.memref_squeeze %dma_wait3A_297 : memref<1x128x64xf32, #tpu.memory_space<vmem>> -> memref<128x64xf32, #tpu.memory_space<vmem>>
    %dma_wait3A_299 = arith.constant 0 : i32
    %dma_wait3A_300 = arith.constant 0 : i32
    %dma_wait3A_301 = tpu.memref_slice %arg16[%dma_wait3A_294, %dma_wait3A_299, %dma_wait3A_300] : memref<8x128x64xf32, #tpu.memory_space<vmem>> -> memref<1x128x64xf32, #tpu.memory_space<vmem>>
    %dma_wait3A_302 = tpu.memref_squeeze %dma_wait3A_301 : memref<1x128x64xf32, #tpu.memory_space<vmem>> -> memref<128x64xf32, #tpu.memory_space<vmem>>
    tpu.wait_dma2 semaphore(%arg19 : memref<!tpu.dma_semaphore, #tpu.memory_space<semaphore_mem>>) src(%arg9 : memref<128x64xf32, #tpu.memory_space<hbm>>) dst(%dma_wait3A_302 : memref<128x64xf32, #tpu.memory_space<vmem>>)
    %dma_wait3A_303 = arith.constant 0 : i32
    %dma_wait3A_304 = arith.constant 0 : i32
    %dma_wait3A_305 = arith.constant 0 : i32
    %dma_wait3A_306 = tpu.memref_slice %arg16[%dma_wait3A_303, %dma_wait3A_304, %dma_wait3A_305] : memref<8x128x64xf32, #tpu.memory_space<vmem>> -> memref<1x128x64xf32, #tpu.memory_space<vmem>>
    %dma_wait3A_307 = tpu.memref_squeeze %dma_wait3A_306 : memref<1x128x64xf32, #tpu.memory_space<vmem>> -> memref<128x64xf32, #tpu.memory_space<vmem>>
    %dma_wait3A_308 = arith.constant 0 : i32
    %dma_wait3A_309 = arith.constant 0 : i32
    %dma_wait3A_310 = tpu.memref_slice %arg16[%dma_wait3A_303, %dma_wait3A_308, %dma_wait3A_309] : memref<8x128x64xf32, #tpu.memory_space<vmem>> -> memref<1x128x64xf32, #tpu.memory_space<vmem>>
    %dma_wait3A_311 = tpu.memref_squeeze %dma_wait3A_310 : memref<1x128x64xf32, #tpu.memory_space<vmem>> -> memref<128x64xf32, #tpu.memory_space<vmem>>
    tpu.wait_dma2 semaphore(%arg19 : memref<!tpu.dma_semaphore, #tpu.memory_space<semaphore_mem>>) src(%arg9 : memref<128x64xf32, #tpu.memory_space<hbm>>) dst(%dma_wait3A_311 : memref<128x64xf32, #tpu.memory_space<vmem>>)
    %dma_wait3A_312 = arith.constant 0 : i32
    %dma_wait3A_313 = arith.constant 0 : i32
    %dma_wait3A_314 = arith.constant 0 : i32
    %dma_wait3A_315 = tpu.memref_slice %arg16[%dma_wait3A_312, %dma_wait3A_313, %dma_wait3A_314] : memref<8x128x64xf32, #tpu.memory_space<vmem>> -> memref<1x128x64xf32, #tpu.memory_space<vmem>>
    %dma_wait3A_316 = tpu.memref_squeeze %dma_wait3A_315 : memref<1x128x64xf32, #tpu.memory_space<vmem>> -> memref<128x64xf32, #tpu.memory_space<vmem>>
    %dma_wait3A_317 = arith.constant 0 : i32
    %dma_wait3A_318 = arith.constant 0 : i32
    %dma_wait3A_319 = tpu.memref_slice %arg16[%dma_wait3A_312, %dma_wait3A_317, %dma_wait3A_318] : memref<8x128x64xf32, #tpu.memory_space<vmem>> -> memref<1x128x64xf32, #tpu.memory_space<vmem>>
    %dma_wait3A_320 = tpu.memref_squeeze %dma_wait3A_319 : memref<1x128x64xf32, #tpu.memory_space<vmem>> -> memref<128x64xf32, #tpu.memory_space<vmem>>
    tpu.wait_dma2 semaphore(%arg19 : memref<!tpu.dma_semaphore, #tpu.memory_space<semaphore_mem>>) src(%arg9 : memref<128x64xf32, #tpu.memory_space<hbm>>) dst(%dma_wait3A_320 : memref<128x64xf32, #tpu.memory_space<vmem>>)
    %dma_wait3A_321 = arith.constant 0 : i32
    %dma_wait3A_322 = arith.constant 0 : i32
    %dma_wait3A_323 = arith.constant 0 : i32
    %dma_wait3A_324 = tpu.memref_slice %arg16[%dma_wait3A_321, %dma_wait3A_322, %dma_wait3A_323] : memref<8x128x64xf32, #tpu.memory_space<vmem>> -> memref<1x128x64xf32, #tpu.memory_space<vmem>>
    %dma_wait3A_325 = tpu.memref_squeeze %dma_wait3A_324 : memref<1x128x64xf32, #tpu.memory_space<vmem>> -> memref<128x64xf32, #tpu.memory_space<vmem>>
    %dma_wait3A_326 = arith.constant 0 : i32
    %dma_wait3A_327 = arith.constant 0 : i32
    %dma_wait3A_328 = tpu.memref_slice %arg16[%dma_wait3A_321, %dma_wait3A_326, %dma_wait3A_327] : memref<8x128x64xf32, #tpu.memory_space<vmem>> -> memref<1x128x64xf32, #tpu.memory_space<vmem>>
    %dma_wait3A_329 = tpu.memref_squeeze %dma_wait3A_328 : memref<1x128x64xf32, #tpu.memory_space<vmem>> -> memref<128x64xf32, #tpu.memory_space<vmem>>
    tpu.wait_dma2 semaphore(%arg19 : memref<!tpu.dma_semaphore, #tpu.memory_space<semaphore_mem>>) src(%arg9 : memref<128x64xf32, #tpu.memory_space<hbm>>) dst(%dma_wait3A_329 : memref<128x64xf32, #tpu.memory_space<vmem>>)
    %dma_wait3A_330 = arith.constant 0 : i32
    %dma_wait3A_331 = arith.constant 0 : i32
    %dma_wait3A_332 = arith.constant 0 : i32
    %dma_wait3A_333 = tpu.memref_slice %arg16[%dma_wait3A_330, %dma_wait3A_331, %dma_wait3A_332] : memref<8x128x64xf32, #tpu.memory_space<vmem>> -> memref<1x128x64xf32, #tpu.memory_space<vmem>>
    %dma_wait3A_334 = tpu.memref_squeeze %dma_wait3A_333 : memref<1x128x64xf32, #tpu.memory_space<vmem>> -> memref<128x64xf32, #tpu.memory_space<vmem>>
    %dma_wait3A_335 = arith.constant 0 : i32
    %dma_wait3A_336 = arith.constant 0 : i32
    %dma_wait3A_337 = tpu.memref_slice %arg16[%dma_wait3A_330, %dma_wait3A_335, %dma_wait3A_336] : memref<8x128x64xf32, #tpu.memory_space<vmem>> -> memref<1x128x64xf32, #tpu.memory_space<vmem>>
    %dma_wait3A_338 = tpu.memref_squeeze %dma_wait3A_337 : memref<1x128x64xf32, #tpu.memory_space<vmem>> -> memref<128x64xf32, #tpu.memory_space<vmem>>
    tpu.wait_dma2 semaphore(%arg19 : memref<!tpu.dma_semaphore, #tpu.memory_space<semaphore_mem>>) src(%arg9 : memref<128x64xf32, #tpu.memory_space<hbm>>) dst(%dma_wait3A_338 : memref<128x64xf32, #tpu.memory_space<vmem>>)
    %dma_wait3A_339 = arith.constant 0 : i32
    %dma_wait3A_340 = arith.constant 0 : i32
    %dma_wait3A_341 = arith.constant 0 : i32
    %dma_wait3A_342 = tpu.memref_slice %arg16[%dma_wait3A_339, %dma_wait3A_340, %dma_wait3A_341] : memref<8x128x64xf32, #tpu.memory_space<vmem>> -> memref<1x128x64xf32, #tpu.memory_space<vmem>>
    %dma_wait3A_343 = tpu.memref_squeeze %dma_wait3A_342 : memref<1x128x64xf32, #tpu.memory_space<vmem>> -> memref<128x64xf32, #tpu.memory_space<vmem>>
    %dma_wait3A_344 = arith.constant 0 : i32
    %dma_wait3A_345 = arith.constant 0 : i32
    %dma_wait3A_346 = tpu.memref_slice %arg16[%dma_wait3A_339, %dma_wait3A_344, %dma_wait3A_345] : memref<8x128x64xf32, #tpu.memory_space<vmem>> -> memref<1x128x64xf32, #tpu.memory_space<vmem>>
    %dma_wait3A_347 = tpu.memref_squeeze %dma_wait3A_346 : memref<1x128x64xf32, #tpu.memory_space<vmem>> -> memref<128x64xf32, #tpu.memory_space<vmem>>
    tpu.wait_dma2 semaphore(%arg19 : memref<!tpu.dma_semaphore, #tpu.memory_space<semaphore_mem>>) src(%arg9 : memref<128x64xf32, #tpu.memory_space<hbm>>) dst(%dma_wait3A_347 : memref<128x64xf32, #tpu.memory_space<vmem>>)
    %mul3A_348 = arith.constant 128 : i32
    %mul3A_349 = arith.muli %arg1, %mul3A_348 : i32
    %mul3A_350 = arith.constant 128 : i32
    %mul3A_351 = arith.muli %add3A, %mul3A_350 : i32
    "tpu.region"() ({
      %run_scoped3A = tpu.sem_alloc : memref<!tpu.dma_semaphore, #tpu.memory_space<semaphore_mem>>
      %dma_start3A_526 = arith.constant 0 : i32
      %dma_start3A_527 = tpu.memref_slice %arg10[%mul3A_351, %dma_start3A_526] : memref<4096x64xf32, #tpu.memory_space<hbm>> -> memref<128x64xf32, #tpu.memory_space<hbm>>
      %dma_start3A_528 = arith.constant 0 : i32
      %dma_start3A_529 = tpu.memref_slice %arg17[%mul3A_349, %dma_start3A_528] : memref<2048x64xf32, #tpu.memory_space<vmem_shared>> -> memref<128x64xf32, #tpu.memory_space<vmem_shared>>
      tpu.enqueue_dma source(%dma_start3A_529 : memref<128x64xf32, #tpu.memory_space<vmem_shared>>) target(%dma_start3A_527 : memref<128x64xf32, #tpu.memory_space<hbm>>) target_semaphore(%run_scoped3A : memref<!tpu.dma_semaphore, #tpu.memory_space<semaphore_mem>>)
      %dma_wait3A_530 = arith.constant 0 : i32
      %dma_wait3A_531 = tpu.memref_slice %arg10[%mul3A_351, %dma_wait3A_530] : memref<4096x64xf32, #tpu.memory_space<hbm>> -> memref<128x64xf32, #tpu.memory_space<hbm>>
      %dma_wait3A_532 = arith.constant 0 : i32
      %dma_wait3A_533 = tpu.memref_slice %arg17[%mul3A_349, %dma_wait3A_532] : memref<2048x64xf32, #tpu.memory_space<vmem_shared>> -> memref<128x64xf32, #tpu.memory_space<vmem_shared>>
      tpu.wait_dma2 semaphore(%run_scoped3A : memref<!tpu.dma_semaphore, #tpu.memory_space<semaphore_mem>>) src(%dma_wait3A_533 : memref<128x64xf32, #tpu.memory_space<vmem_shared>>) dst(%dma_wait3A_531 : memref<128x64xf32, #tpu.memory_space<hbm>>)
      tpu.yield
    }) : () -> ()
    %dma_start3A_352 = arith.constant 0 : i32
    %dma_start3A_353 = arith.constant 0 : i32
    %dma_start3A_354 = arith.constant 0 : i32
    %dma_start3A_355 = arith.constant 0 : i32
    %dma_start3A_356 = tpu.memref_slice %arg16[%dma_start3A_353, %dma_start3A_354, %dma_start3A_355] : memref<8x128x64xf32, #tpu.memory_space<vmem>> -> memref<1x128x64xf32, #tpu.memory_space<vmem>>
    %dma_start3A_357 = tpu.memref_squeeze %dma_start3A_356 : memref<1x128x64xf32, #tpu.memory_space<vmem>> -> memref<128x64xf32, #tpu.memory_space<vmem>>
    %dma_start3A_358 = arith.constant 0 : i32
    %dma_start3A_359 = tpu.memref_slice %arg14[%dma_start3A_352, %dma_start3A_358] : memref<20x128xi32, #tpu.memory_space<vmem>> -> memref<1x128xi32, #tpu.memory_space<vmem>>
    %dma_start3A_360 = tpu.memref_squeeze %dma_start3A_359 : memref<1x128xi32, #tpu.memory_space<vmem>> -> memref<128xi32, #tpu.memory_space<vmem>>
    %dma_start3A_361 = arith.constant 0 : i32
    %dma_start3A_362 = arith.constant 0 : i32
    %dma_start3A_363 = tpu.memref_slice %arg4[%dma_start3A_361, %dma_start3A_362] : memref<1000000x64xf32, #tpu.memory_space<hbm>> -> memref<1000000x64xf32, #tpu.memory_space<hbm>>
    tpu.enqueue_indirect_dma source(%dma_start3A_363 : memref<1000000x64xf32, #tpu.memory_space<hbm>>) target(%dma_start3A_357 : memref<128x64xf32, #tpu.memory_space<vmem>>) offsets(%dma_start3A_360 : memref<128xi32, #tpu.memory_space<vmem>>) semaphore(%arg18 : memref<!tpu.dma_semaphore, #tpu.memory_space<semaphore_mem>>)
    %dma_start3A_364 = arith.constant 1 : i32
    %dma_start3A_365 = arith.constant 1 : i32
    %dma_start3A_366 = arith.constant 0 : i32
    %dma_start3A_367 = arith.constant 0 : i32
    %dma_start3A_368 = tpu.memref_slice %arg16[%dma_start3A_365, %dma_start3A_366, %dma_start3A_367] : memref<8x128x64xf32, #tpu.memory_space<vmem>> -> memref<1x128x64xf32, #tpu.memory_space<vmem>>
    %dma_start3A_369 = tpu.memref_squeeze %dma_start3A_368 : memref<1x128x64xf32, #tpu.memory_space<vmem>> -> memref<128x64xf32, #tpu.memory_space<vmem>>
    %dma_start3A_370 = arith.constant 0 : i32
    %dma_start3A_371 = tpu.memref_slice %arg14[%dma_start3A_364, %dma_start3A_370] : memref<20x128xi32, #tpu.memory_space<vmem>> -> memref<1x128xi32, #tpu.memory_space<vmem>>
    %dma_start3A_372 = tpu.memref_squeeze %dma_start3A_371 : memref<1x128xi32, #tpu.memory_space<vmem>> -> memref<128xi32, #tpu.memory_space<vmem>>
    %dma_start3A_373 = arith.constant 0 : i32
    %dma_start3A_374 = arith.constant 0 : i32
    %dma_start3A_375 = tpu.memref_slice %arg4[%dma_start3A_373, %dma_start3A_374] : memref<1000000x64xf32, #tpu.memory_space<hbm>> -> memref<1000000x64xf32, #tpu.memory_space<hbm>>
    tpu.enqueue_indirect_dma source(%dma_start3A_375 : memref<1000000x64xf32, #tpu.memory_space<hbm>>) target(%dma_start3A_369 : memref<128x64xf32, #tpu.memory_space<vmem>>) offsets(%dma_start3A_372 : memref<128xi32, #tpu.memory_space<vmem>>) semaphore(%arg18 : memref<!tpu.dma_semaphore, #tpu.memory_space<semaphore_mem>>)
    %dma_start3A_376 = arith.constant 2 : i32
    %dma_start3A_377 = arith.constant 2 : i32
    %dma_start3A_378 = arith.constant 0 : i32
    %dma_start3A_379 = arith.constant 0 : i32
    %dma_start3A_380 = tpu.memref_slice %arg16[%dma_start3A_377, %dma_start3A_378, %dma_start3A_379] : memref<8x128x64xf32, #tpu.memory_space<vmem>> -> memref<1x128x64xf32, #tpu.memory_space<vmem>>
    %dma_start3A_381 = tpu.memref_squeeze %dma_start3A_380 : memref<1x128x64xf32, #tpu.memory_space<vmem>> -> memref<128x64xf32, #tpu.memory_space<vmem>>
    %dma_start3A_382 = arith.constant 0 : i32
    %dma_start3A_383 = tpu.memref_slice %arg14[%dma_start3A_376, %dma_start3A_382] : memref<20x128xi32, #tpu.memory_space<vmem>> -> memref<1x128xi32, #tpu.memory_space<vmem>>
    %dma_start3A_384 = tpu.memref_squeeze %dma_start3A_383 : memref<1x128xi32, #tpu.memory_space<vmem>> -> memref<128xi32, #tpu.memory_space<vmem>>
    %dma_start3A_385 = arith.constant 0 : i32
    %dma_start3A_386 = arith.constant 0 : i32
    %dma_start3A_387 = tpu.memref_slice %arg4[%dma_start3A_385, %dma_start3A_386] : memref<1000000x64xf32, #tpu.memory_space<hbm>> -> memref<1000000x64xf32, #tpu.memory_space<hbm>>
    tpu.enqueue_indirect_dma source(%dma_start3A_387 : memref<1000000x64xf32, #tpu.memory_space<hbm>>) target(%dma_start3A_381 : memref<128x64xf32, #tpu.memory_space<vmem>>) offsets(%dma_start3A_384 : memref<128xi32, #tpu.memory_space<vmem>>) semaphore(%arg18 : memref<!tpu.dma_semaphore, #tpu.memory_space<semaphore_mem>>)
    %dma_start3A_388 = arith.constant 3 : i32
    %dma_start3A_389 = arith.constant 3 : i32
    %dma_start3A_390 = arith.constant 0 : i32
    %dma_start3A_391 = arith.constant 0 : i32
    %dma_start3A_392 = tpu.memref_slice %arg16[%dma_start3A_389, %dma_start3A_390, %dma_start3A_391] : memref<8x128x64xf32, #tpu.memory_space<vmem>> -> memref<1x128x64xf32, #tpu.memory_space<vmem>>
    %dma_start3A_393 = tpu.memref_squeeze %dma_start3A_392 : memref<1x128x64xf32, #tpu.memory_space<vmem>> -> memref<128x64xf32, #tpu.memory_space<vmem>>
    %dma_start3A_394 = arith.constant 0 : i32
    %dma_start3A_395 = tpu.memref_slice %arg14[%dma_start3A_388, %dma_start3A_394] : memref<20x128xi32, #tpu.memory_space<vmem>> -> memref<1x128xi32, #tpu.memory_space<vmem>>
    %dma_start3A_396 = tpu.memref_squeeze %dma_start3A_395 : memref<1x128xi32, #tpu.memory_space<vmem>> -> memref<128xi32, #tpu.memory_space<vmem>>
    %dma_start3A_397 = arith.constant 0 : i32
    %dma_start3A_398 = arith.constant 0 : i32
    %dma_start3A_399 = tpu.memref_slice %arg4[%dma_start3A_397, %dma_start3A_398] : memref<1000000x64xf32, #tpu.memory_space<hbm>> -> memref<1000000x64xf32, #tpu.memory_space<hbm>>
    tpu.enqueue_indirect_dma source(%dma_start3A_399 : memref<1000000x64xf32, #tpu.memory_space<hbm>>) target(%dma_start3A_393 : memref<128x64xf32, #tpu.memory_space<vmem>>) offsets(%dma_start3A_396 : memref<128xi32, #tpu.memory_space<vmem>>) semaphore(%arg18 : memref<!tpu.dma_semaphore, #tpu.memory_space<semaphore_mem>>)
    %dma_start3A_400 = arith.constant 4 : i32
    %dma_start3A_401 = arith.constant 4 : i32
    %dma_start3A_402 = arith.constant 0 : i32
    %dma_start3A_403 = arith.constant 0 : i32
    %dma_start3A_404 = tpu.memref_slice %arg16[%dma_start3A_401, %dma_start3A_402, %dma_start3A_403] : memref<8x128x64xf32, #tpu.memory_space<vmem>> -> memref<1x128x64xf32, #tpu.memory_space<vmem>>
    %dma_start3A_405 = tpu.memref_squeeze %dma_start3A_404 : memref<1x128x64xf32, #tpu.memory_space<vmem>> -> memref<128x64xf32, #tpu.memory_space<vmem>>
    %dma_start3A_406 = arith.constant 0 : i32
    %dma_start3A_407 = tpu.memref_slice %arg14[%dma_start3A_400, %dma_start3A_406] : memref<20x128xi32, #tpu.memory_space<vmem>> -> memref<1x128xi32, #tpu.memory_space<vmem>>
    %dma_start3A_408 = tpu.memref_squeeze %dma_start3A_407 : memref<1x128xi32, #tpu.memory_space<vmem>> -> memref<128xi32, #tpu.memory_space<vmem>>
    %dma_start3A_409 = arith.constant 0 : i32
    %dma_start3A_410 = arith.constant 0 : i32
    %dma_start3A_411 = tpu.memref_slice %arg4[%dma_start3A_409, %dma_start3A_410] : memref<1000000x64xf32, #tpu.memory_space<hbm>> -> memref<1000000x64xf32, #tpu.memory_space<hbm>>
    tpu.enqueue_indirect_dma source(%dma_start3A_411 : memref<1000000x64xf32, #tpu.memory_space<hbm>>) target(%dma_start3A_405 : memref<128x64xf32, #tpu.memory_space<vmem>>) offsets(%dma_start3A_408 : memref<128xi32, #tpu.memory_space<vmem>>) semaphore(%arg18 : memref<!tpu.dma_semaphore, #tpu.memory_space<semaphore_mem>>)
    %dma_start3A_412 = arith.constant 5 : i32
    %dma_start3A_413 = arith.constant 5 : i32
    %dma_start3A_414 = arith.constant 0 : i32
    %dma_start3A_415 = arith.constant 0 : i32
    %dma_start3A_416 = tpu.memref_slice %arg16[%dma_start3A_413, %dma_start3A_414, %dma_start3A_415] : memref<8x128x64xf32, #tpu.memory_space<vmem>> -> memref<1x128x64xf32, #tpu.memory_space<vmem>>
    %dma_start3A_417 = tpu.memref_squeeze %dma_start3A_416 : memref<1x128x64xf32, #tpu.memory_space<vmem>> -> memref<128x64xf32, #tpu.memory_space<vmem>>
    %dma_start3A_418 = arith.constant 0 : i32
    %dma_start3A_419 = tpu.memref_slice %arg14[%dma_start3A_412, %dma_start3A_418] : memref<20x128xi32, #tpu.memory_space<vmem>> -> memref<1x128xi32, #tpu.memory_space<vmem>>
    %dma_start3A_420 = tpu.memref_squeeze %dma_start3A_419 : memref<1x128xi32, #tpu.memory_space<vmem>> -> memref<128xi32, #tpu.memory_space<vmem>>
    %dma_start3A_421 = arith.constant 0 : i32
    %dma_start3A_422 = arith.constant 0 : i32
    %dma_start3A_423 = tpu.memref_slice %arg4[%dma_start3A_421, %dma_start3A_422] : memref<1000000x64xf32, #tpu.memory_space<hbm>> -> memref<1000000x64xf32, #tpu.memory_space<hbm>>
    tpu.enqueue_indirect_dma source(%dma_start3A_423 : memref<1000000x64xf32, #tpu.memory_space<hbm>>) target(%dma_start3A_417 : memref<128x64xf32, #tpu.memory_space<vmem>>) offsets(%dma_start3A_420 : memref<128xi32, #tpu.memory_space<vmem>>) semaphore(%arg18 : memref<!tpu.dma_semaphore, #tpu.memory_space<semaphore_mem>>)
    %dma_start3A_424 = arith.constant 6 : i32
    %dma_start3A_425 = arith.constant 6 : i32
    %dma_start3A_426 = arith.constant 0 : i32
    %dma_start3A_427 = arith.constant 0 : i32
    %dma_start3A_428 = tpu.memref_slice %arg16[%dma_start3A_425, %dma_start3A_426, %dma_start3A_427] : memref<8x128x64xf32, #tpu.memory_space<vmem>> -> memref<1x128x64xf32, #tpu.memory_space<vmem>>
    %dma_start3A_429 = tpu.memref_squeeze %dma_start3A_428 : memref<1x128x64xf32, #tpu.memory_space<vmem>> -> memref<128x64xf32, #tpu.memory_space<vmem>>
    %dma_start3A_430 = arith.constant 0 : i32
    %dma_start3A_431 = tpu.memref_slice %arg14[%dma_start3A_424, %dma_start3A_430] : memref<20x128xi32, #tpu.memory_space<vmem>> -> memref<1x128xi32, #tpu.memory_space<vmem>>
    %dma_start3A_432 = tpu.memref_squeeze %dma_start3A_431 : memref<1x128xi32, #tpu.memory_space<vmem>> -> memref<128xi32, #tpu.memory_space<vmem>>
    %dma_start3A_433 = arith.constant 0 : i32
    %dma_start3A_434 = arith.constant 0 : i32
    %dma_start3A_435 = tpu.memref_slice %arg4[%dma_start3A_433, %dma_start3A_434] : memref<1000000x64xf32, #tpu.memory_space<hbm>> -> memref<1000000x64xf32, #tpu.memory_space<hbm>>
    tpu.enqueue_indirect_dma source(%dma_start3A_435 : memref<1000000x64xf32, #tpu.memory_space<hbm>>) target(%dma_start3A_429 : memref<128x64xf32, #tpu.memory_space<vmem>>) offsets(%dma_start3A_432 : memref<128xi32, #tpu.memory_space<vmem>>) semaphore(%arg18 : memref<!tpu.dma_semaphore, #tpu.memory_space<semaphore_mem>>)
    %dma_start3A_436 = arith.constant 7 : i32
    %dma_start3A_437 = arith.constant 7 : i32
    %dma_start3A_438 = arith.constant 0 : i32
    %dma_start3A_439 = arith.constant 0 : i32
    %dma_start3A_440 = tpu.memref_slice %arg16[%dma_start3A_437, %dma_start3A_438, %dma_start3A_439] : memref<8x128x64xf32, #tpu.memory_space<vmem>> -> memref<1x128x64xf32, #tpu.memory_space<vmem>>
    %dma_start3A_441 = tpu.memref_squeeze %dma_start3A_440 : memref<1x128x64xf32, #tpu.memory_space<vmem>> -> memref<128x64xf32, #tpu.memory_space<vmem>>
    %dma_start3A_442 = arith.constant 0 : i32
    %dma_start3A_443 = tpu.memref_slice %arg14[%dma_start3A_436, %dma_start3A_442] : memref<20x128xi32, #tpu.memory_space<vmem>> -> memref<1x128xi32, #tpu.memory_space<vmem>>
    %dma_start3A_444 = tpu.memref_squeeze %dma_start3A_443 : memref<1x128xi32, #tpu.memory_space<vmem>> -> memref<128xi32, #tpu.memory_space<vmem>>
    %dma_start3A_445 = arith.constant 0 : i32
    %dma_start3A_446 = arith.constant 0 : i32
    %dma_start3A_447 = tpu.memref_slice %arg4[%dma_start3A_445, %dma_start3A_446] : memref<1000000x64xf32, #tpu.memory_space<hbm>> -> memref<1000000x64xf32, #tpu.memory_space<hbm>>
    tpu.enqueue_indirect_dma source(%dma_start3A_447 : memref<1000000x64xf32, #tpu.memory_space<hbm>>) target(%dma_start3A_441 : memref<128x64xf32, #tpu.memory_space<vmem>>) offsets(%dma_start3A_444 : memref<128xi32, #tpu.memory_space<vmem>>) semaphore(%arg18 : memref<!tpu.dma_semaphore, #tpu.memory_space<semaphore_mem>>)
    %scan3A_448 = arith.constant 0 : i32
    %scan3A_449 = arith.constant 0 : i32
    %scan3A_450 = arith.constant 20 : i32
    %scan3A_451 = arith.addi %scan3A_449, %scan3A_450 : i32
    %scan3A_452 = arith.constant 1 : i32
    scf.for %scan3A_526 = %scan3A_449 to %scan3A_451 step %scan3A_452  : i32 {
      %rem3A = arith.constant 8 : i32
      %rem3A_527 = arith.remsi %scan3A_526, %rem3A : i32
      %dma_wait3A_528 = arith.constant 0 : i32
      %dma_wait3A_529 = arith.constant 0 : i32
      %dma_wait3A_530 = tpu.memref_slice %arg16[%rem3A_527, %dma_wait3A_528, %dma_wait3A_529] : memref<8x128x64xf32, #tpu.memory_space<vmem>> -> memref<1x128x64xf32, #tpu.memory_space<vmem>>
      %dma_wait3A_531 = tpu.memref_squeeze %dma_wait3A_530 : memref<1x128x64xf32, #tpu.memory_space<vmem>> -> memref<128x64xf32, #tpu.memory_space<vmem>>
      %dma_wait3A_532 = arith.constant 0 : i32
      %dma_wait3A_533 = arith.constant 0 : i32
      %dma_wait3A_534 = tpu.memref_slice %arg16[%rem3A_527, %dma_wait3A_532, %dma_wait3A_533] : memref<8x128x64xf32, #tpu.memory_space<vmem>> -> memref<1x128x64xf32, #tpu.memory_space<vmem>>
      %dma_wait3A_535 = tpu.memref_squeeze %dma_wait3A_534 : memref<1x128x64xf32, #tpu.memory_space<vmem>> -> memref<128x64xf32, #tpu.memory_space<vmem>>
      tpu.wait_dma2 semaphore(%arg18 : memref<!tpu.dma_semaphore, #tpu.memory_space<semaphore_mem>>) src(%arg9 : memref<128x64xf32, #tpu.memory_space<hbm>>) dst(%dma_wait3A_535 : memref<128x64xf32, #tpu.memory_space<vmem>>)
      %mul3A_536 = arith.constant 20 : i32
      %mul3A_537 = arith.muli %add3A, %mul3A_536 : i32
      %add3A_538 = arith.addi %mul3A_537, %scan3A_526 : i32
      %mul3A_539 = arith.constant 128 : i32
      %mul3A_540 = arith.muli %add3A_538, %mul3A_539 : i32
      %dma_start3A_541 = arith.constant 0 : i32
      %dma_start3A_542 = arith.constant 0 : i32
      %dma_start3A_543 = tpu.memref_slice %arg16[%rem3A_527, %dma_start3A_541, %dma_start3A_542] : memref<8x128x64xf32, #tpu.memory_space<vmem>> -> memref<1x128x64xf32, #tpu.memory_space<vmem>>
      %dma_start3A_544 = tpu.memref_squeeze %dma_start3A_543 : memref<1x128x64xf32, #tpu.memory_space<vmem>> -> memref<128x64xf32, #tpu.memory_space<vmem>>
      %dma_start3A_545 = arith.constant 0 : i32
      %dma_start3A_546 = tpu.memref_slice %arg11[%mul3A_540, %dma_start3A_545] : memref<81920x64xf32, #tpu.memory_space<hbm>> -> memref<128x64xf32, #tpu.memory_space<hbm>>
      %dma_start3A_547 = arith.constant 0 : i32
      %dma_start3A_548 = tpu.memref_slice %arg11[%mul3A_540, %dma_start3A_547] : memref<81920x64xf32, #tpu.memory_space<hbm>> -> memref<128x64xf32, #tpu.memory_space<hbm>>
      %dma_start3A_549 = arith.constant 0 : i32
      %dma_start3A_550 = arith.constant 0 : i32
      %dma_start3A_551 = tpu.memref_slice %arg16[%rem3A_527, %dma_start3A_549, %dma_start3A_550] : memref<8x128x64xf32, #tpu.memory_space<vmem>> -> memref<1x128x64xf32, #tpu.memory_space<vmem>>
      %dma_start3A_552 = tpu.memref_squeeze %dma_start3A_551 : memref<1x128x64xf32, #tpu.memory_space<vmem>> -> memref<128x64xf32, #tpu.memory_space<vmem>>
      tpu.enqueue_dma source(%dma_start3A_552 : memref<128x64xf32, #tpu.memory_space<vmem>>) target(%dma_start3A_548 : memref<128x64xf32, #tpu.memory_space<hbm>>) target_semaphore(%arg19 : memref<!tpu.dma_semaphore, #tpu.memory_space<semaphore_mem>>)
      %add3A_553 = arith.constant 8 : i32
      %add3A_554 = arith.addi %scan3A_526, %add3A_553 : i32
      %lt3A = arith.constant 20 : i32
      %lt3A_555 = arith.cmpi slt, %add3A_554, %lt3A : i32
      %convert_element_type3A = arith.extui %lt3A_555 : i1 to i32
      %cond3A = arith.constant 0 : i32
      %cond3A_556 = arith.cmpi ne, %convert_element_type3A, %cond3A : i32
      scf.if %cond3A_556 {
        %dma_wait3A_557 = arith.constant 0 : i32
        %dma_wait3A_558 = arith.constant 0 : i32
        %dma_wait3A_559 = tpu.memref_slice %arg16[%rem3A_527, %dma_wait3A_557, %dma_wait3A_558] : memref<8x128x64xf32, #tpu.memory_space<vmem>> -> memref<1x128x64xf32, #tpu.memory_space<vmem>>
        %dma_wait3A_560 = tpu.memref_squeeze %dma_wait3A_559 : memref<1x128x64xf32, #tpu.memory_space<vmem>> -> memref<128x64xf32, #tpu.memory_space<vmem>>
        %dma_wait3A_561 = arith.constant 0 : i32
        %dma_wait3A_562 = arith.constant 0 : i32
        %dma_wait3A_563 = tpu.memref_slice %arg16[%rem3A_527, %dma_wait3A_561, %dma_wait3A_562] : memref<8x128x64xf32, #tpu.memory_space<vmem>> -> memref<1x128x64xf32, #tpu.memory_space<vmem>>
        %dma_wait3A_564 = tpu.memref_squeeze %dma_wait3A_563 : memref<1x128x64xf32, #tpu.memory_space<vmem>> -> memref<128x64xf32, #tpu.memory_space<vmem>>
        tpu.wait_dma2 semaphore(%arg19 : memref<!tpu.dma_semaphore, #tpu.memory_space<semaphore_mem>>) src(%arg9 : memref<128x64xf32, #tpu.memory_space<hbm>>) dst(%dma_wait3A_564 : memref<128x64xf32, #tpu.memory_space<vmem>>)
        %dma_start3A_565 = arith.constant 0 : i32
        %dma_start3A_566 = arith.constant 0 : i32
        %dma_start3A_567 = tpu.memref_slice %arg16[%rem3A_527, %dma_start3A_565, %dma_start3A_566] : memref<8x128x64xf32, #tpu.memory_space<vmem>> -> memref<1x128x64xf32, #tpu.memory_space<vmem>>
        %dma_start3A_568 = tpu.memref_squeeze %dma_start3A_567 : memref<1x128x64xf32, #tpu.memory_space<vmem>> -> memref<128x64xf32, #tpu.memory_space<vmem>>
        %dma_start3A_569 = arith.constant 0 : i32
        %dma_start3A_570 = tpu.memref_slice %arg14[%add3A_554, %dma_start3A_569] : memref<20x128xi32, #tpu.memory_space<vmem>> -> memref<1x128xi32, #tpu.memory_space<vmem>>
        %dma_start3A_571 = tpu.memref_squeeze %dma_start3A_570 : memref<1x128xi32, #tpu.memory_space<vmem>> -> memref<128xi32, #tpu.memory_space<vmem>>
        %dma_start3A_572 = arith.constant 0 : i32
        %dma_start3A_573 = arith.constant 0 : i32
        %dma_start3A_574 = tpu.memref_slice %arg4[%dma_start3A_572, %dma_start3A_573] : memref<1000000x64xf32, #tpu.memory_space<hbm>> -> memref<1000000x64xf32, #tpu.memory_space<hbm>>
        tpu.enqueue_indirect_dma source(%dma_start3A_574 : memref<1000000x64xf32, #tpu.memory_space<hbm>>) target(%dma_start3A_568 : memref<128x64xf32, #tpu.memory_space<vmem>>) offsets(%dma_start3A_571 : memref<128xi32, #tpu.memory_space<vmem>>) semaphore(%arg18 : memref<!tpu.dma_semaphore, #tpu.memory_space<semaphore_mem>>)
      } else {
      }
    }
    %scan3A_453 = arith.constant 20 : i32
    %dma_wait3A_454 = arith.constant 0 : i32
    %dma_wait3A_455 = arith.constant 0 : i32
    %dma_wait3A_456 = arith.constant 0 : i32
    %dma_wait3A_457 = tpu.memref_slice %arg16[%dma_wait3A_454, %dma_wait3A_455, %dma_wait3A_456] : memref<8x128x64xf32, #tpu.memory_space<vmem>> -> memref<1x128x64xf32, #tpu.memory_space<vmem>>
    %dma_wait3A_458 = tpu.memref_squeeze %dma_wait3A_457 : memref<1x128x64xf32, #tpu.memory_space<vmem>> -> memref<128x64xf32, #tpu.memory_space<vmem>>
    %dma_wait3A_459 = arith.constant 0 : i32
    %dma_wait3A_460 = arith.constant 0 : i32
    %dma_wait3A_461 = tpu.memref_slice %arg16[%dma_wait3A_454, %dma_wait3A_459, %dma_wait3A_460] : memref<8x128x64xf32, #tpu.memory_space<vmem>> -> memref<1x128x64xf32, #tpu.memory_space<vmem>>
    %dma_wait3A_462 = tpu.memref_squeeze %dma_wait3A_461 : memref<1x128x64xf32, #tpu.memory_space<vmem>> -> memref<128x64xf32, #tpu.memory_space<vmem>>
    tpu.wait_dma2 semaphore(%arg19 : memref<!tpu.dma_semaphore, #tpu.memory_space<semaphore_mem>>) src(%arg9 : memref<128x64xf32, #tpu.memory_space<hbm>>) dst(%dma_wait3A_462 : memref<128x64xf32, #tpu.memory_space<vmem>>)
    %dma_wait3A_463 = arith.constant 0 : i32
    %dma_wait3A_464 = arith.constant 0 : i32
    %dma_wait3A_465 = arith.constant 0 : i32
    %dma_wait3A_466 = tpu.memref_slice %arg16[%dma_wait3A_463, %dma_wait3A_464, %dma_wait3A_465] : memref<8x128x64xf32, #tpu.memory_space<vmem>> -> memref<1x128x64xf32, #tpu.memory_space<vmem>>
    %dma_wait3A_467 = tpu.memref_squeeze %dma_wait3A_466 : memref<1x128x64xf32, #tpu.memory_space<vmem>> -> memref<128x64xf32, #tpu.memory_space<vmem>>
    %dma_wait3A_468 = arith.constant 0 : i32
    %dma_wait3A_469 = arith.constant 0 : i32
    %dma_wait3A_470 = tpu.memref_slice %arg16[%dma_wait3A_463, %dma_wait3A_468, %dma_wait3A_469] : memref<8x128x64xf32, #tpu.memory_space<vmem>> -> memref<1x128x64xf32, #tpu.memory_space<vmem>>
    %dma_wait3A_471 = tpu.memref_squeeze %dma_wait3A_470 : memref<1x128x64xf32, #tpu.memory_space<vmem>> -> memref<128x64xf32, #tpu.memory_space<vmem>>
    tpu.wait_dma2 semaphore(%arg19 : memref<!tpu.dma_semaphore, #tpu.memory_space<semaphore_mem>>) src(%arg9 : memref<128x64xf32, #tpu.memory_space<hbm>>) dst(%dma_wait3A_471 : memref<128x64xf32, #tpu.memory_space<vmem>>)
    %dma_wait3A_472 = arith.constant 0 : i32
    %dma_wait3A_473 = arith.constant 0 : i32
    %dma_wait3A_474 = arith.constant 0 : i32
    %dma_wait3A_475 = tpu.memref_slice %arg16[%dma_wait3A_472, %dma_wait3A_473, %dma_wait3A_474] : memref<8x128x64xf32, #tpu.memory_space<vmem>> -> memref<1x128x64xf32, #tpu.memory_space<vmem>>
    %dma_wait3A_476 = tpu.memref_squeeze %dma_wait3A_475 : memref<1x128x64xf32, #tpu.memory_space<vmem>> -> memref<128x64xf32, #tpu.memory_space<vmem>>
    %dma_wait3A_477 = arith.constant 0 : i32
    %dma_wait3A_478 = arith.constant 0 : i32
    %dma_wait3A_479 = tpu.memref_slice %arg16[%dma_wait3A_472, %dma_wait3A_477, %dma_wait3A_478] : memref<8x128x64xf32, #tpu.memory_space<vmem>> -> memref<1x128x64xf32, #tpu.memory_space<vmem>>
    %dma_wait3A_480 = tpu.memref_squeeze %dma_wait3A_479 : memref<1x128x64xf32, #tpu.memory_space<vmem>> -> memref<128x64xf32, #tpu.memory_space<vmem>>
    tpu.wait_dma2 semaphore(%arg19 : memref<!tpu.dma_semaphore, #tpu.memory_space<semaphore_mem>>) src(%arg9 : memref<128x64xf32, #tpu.memory_space<hbm>>) dst(%dma_wait3A_480 : memref<128x64xf32, #tpu.memory_space<vmem>>)
    %dma_wait3A_481 = arith.constant 0 : i32
    %dma_wait3A_482 = arith.constant 0 : i32
    %dma_wait3A_483 = arith.constant 0 : i32
    %dma_wait3A_484 = tpu.memref_slice %arg16[%dma_wait3A_481, %dma_wait3A_482, %dma_wait3A_483] : memref<8x128x64xf32, #tpu.memory_space<vmem>> -> memref<1x128x64xf32, #tpu.memory_space<vmem>>
    %dma_wait3A_485 = tpu.memref_squeeze %dma_wait3A_484 : memref<1x128x64xf32, #tpu.memory_space<vmem>> -> memref<128x64xf32, #tpu.memory_space<vmem>>
    %dma_wait3A_486 = arith.constant 0 : i32
    %dma_wait3A_487 = arith.constant 0 : i32
    %dma_wait3A_488 = tpu.memref_slice %arg16[%dma_wait3A_481, %dma_wait3A_486, %dma_wait3A_487] : memref<8x128x64xf32, #tpu.memory_space<vmem>> -> memref<1x128x64xf32, #tpu.memory_space<vmem>>
    %dma_wait3A_489 = tpu.memref_squeeze %dma_wait3A_488 : memref<1x128x64xf32, #tpu.memory_space<vmem>> -> memref<128x64xf32, #tpu.memory_space<vmem>>
    tpu.wait_dma2 semaphore(%arg19 : memref<!tpu.dma_semaphore, #tpu.memory_space<semaphore_mem>>) src(%arg9 : memref<128x64xf32, #tpu.memory_space<hbm>>) dst(%dma_wait3A_489 : memref<128x64xf32, #tpu.memory_space<vmem>>)
    %dma_wait3A_490 = arith.constant 0 : i32
    %dma_wait3A_491 = arith.constant 0 : i32
    %dma_wait3A_492 = arith.constant 0 : i32
    %dma_wait3A_493 = tpu.memref_slice %arg16[%dma_wait3A_490, %dma_wait3A_491, %dma_wait3A_492] : memref<8x128x64xf32, #tpu.memory_space<vmem>> -> memref<1x128x64xf32, #tpu.memory_space<vmem>>
    %dma_wait3A_494 = tpu.memref_squeeze %dma_wait3A_493 : memref<1x128x64xf32, #tpu.memory_space<vmem>> -> memref<128x64xf32, #tpu.memory_space<vmem>>
    %dma_wait3A_495 = arith.constant 0 : i32
    %dma_wait3A_496 = arith.constant 0 : i32
    %dma_wait3A_497 = tpu.memref_slice %arg16[%dma_wait3A_490, %dma_wait3A_495, %dma_wait3A_496] : memref<8x128x64xf32, #tpu.memory_space<vmem>> -> memref<1x128x64xf32, #tpu.memory_space<vmem>>
    %dma_wait3A_498 = tpu.memref_squeeze %dma_wait3A_497 : memref<1x128x64xf32, #tpu.memory_space<vmem>> -> memref<128x64xf32, #tpu.memory_space<vmem>>
    tpu.wait_dma2 semaphore(%arg19 : memref<!tpu.dma_semaphore, #tpu.memory_space<semaphore_mem>>) src(%arg9 : memref<128x64xf32, #tpu.memory_space<hbm>>) dst(%dma_wait3A_498 : memref<128x64xf32, #tpu.memory_space<vmem>>)
    %dma_wait3A_499 = arith.constant 0 : i32
    %dma_wait3A_500 = arith.constant 0 : i32
    %dma_wait3A_501 = arith.constant 0 : i32
    %dma_wait3A_502 = tpu.memref_slice %arg16[%dma_wait3A_499, %dma_wait3A_500, %dma_wait3A_501] : memref<8x128x64xf32, #tpu.memory_space<vmem>> -> memref<1x128x64xf32, #tpu.memory_space<vmem>>
    %dma_wait3A_503 = tpu.memref_squeeze %dma_wait3A_502 : memref<1x128x64xf32, #tpu.memory_space<vmem>> -> memref<128x64xf32, #tpu.memory_space<vmem>>
    %dma_wait3A_504 = arith.constant 0 : i32
    %dma_wait3A_505 = arith.constant 0 : i32
    %dma_wait3A_506 = tpu.memref_slice %arg16[%dma_wait3A_499, %dma_wait3A_504, %dma_wait3A_505] : memref<8x128x64xf32, #tpu.memory_space<vmem>> -> memref<1x128x64xf32, #tpu.memory_space<vmem>>
    %dma_wait3A_507 = tpu.memref_squeeze %dma_wait3A_506 : memref<1x128x64xf32, #tpu.memory_space<vmem>> -> memref<128x64xf32, #tpu.memory_space<vmem>>
    tpu.wait_dma2 semaphore(%arg19 : memref<!tpu.dma_semaphore, #tpu.memory_space<semaphore_mem>>) src(%arg9 : memref<128x64xf32, #tpu.memory_space<hbm>>) dst(%dma_wait3A_507 : memref<128x64xf32, #tpu.memory_space<vmem>>)
    %dma_wait3A_508 = arith.constant 0 : i32
    %dma_wait3A_509 = arith.constant 0 : i32
    %dma_wait3A_510 = arith.constant 0 : i32
    %dma_wait3A_511 = tpu.memref_slice %arg16[%dma_wait3A_508, %dma_wait3A_509, %dma_wait3A_510] : memref<8x128x64xf32, #tpu.memory_space<vmem>> -> memref<1x128x64xf32, #tpu.memory_space<vmem>>
    %dma_wait3A_512 = tpu.memref_squeeze %dma_wait3A_511 : memref<1x128x64xf32, #tpu.memory_space<vmem>> -> memref<128x64xf32, #tpu.memory_space<vmem>>
    %dma_wait3A_513 = arith.constant 0 : i32
    %dma_wait3A_514 = arith.constant 0 : i32
    %dma_wait3A_515 = tpu.memref_slice %arg16[%dma_wait3A_508, %dma_wait3A_513, %dma_wait3A_514] : memref<8x128x64xf32, #tpu.memory_space<vmem>> -> memref<1x128x64xf32, #tpu.memory_space<vmem>>
    %dma_wait3A_516 = tpu.memref_squeeze %dma_wait3A_515 : memref<1x128x64xf32, #tpu.memory_space<vmem>> -> memref<128x64xf32, #tpu.memory_space<vmem>>
    tpu.wait_dma2 semaphore(%arg19 : memref<!tpu.dma_semaphore, #tpu.memory_space<semaphore_mem>>) src(%arg9 : memref<128x64xf32, #tpu.memory_space<hbm>>) dst(%dma_wait3A_516 : memref<128x64xf32, #tpu.memory_space<vmem>>)
    %dma_wait3A_517 = arith.constant 0 : i32
    %dma_wait3A_518 = arith.constant 0 : i32
    %dma_wait3A_519 = arith.constant 0 : i32
    %dma_wait3A_520 = tpu.memref_slice %arg16[%dma_wait3A_517, %dma_wait3A_518, %dma_wait3A_519] : memref<8x128x64xf32, #tpu.memory_space<vmem>> -> memref<1x128x64xf32, #tpu.memory_space<vmem>>
    %dma_wait3A_521 = tpu.memref_squeeze %dma_wait3A_520 : memref<1x128x64xf32, #tpu.memory_space<vmem>> -> memref<128x64xf32, #tpu.memory_space<vmem>>
    %dma_wait3A_522 = arith.constant 0 : i32
    %dma_wait3A_523 = arith.constant 0 : i32
    %dma_wait3A_524 = tpu.memref_slice %arg16[%dma_wait3A_517, %dma_wait3A_522, %dma_wait3A_523] : memref<8x128x64xf32, #tpu.memory_space<vmem>> -> memref<1x128x64xf32, #tpu.memory_space<vmem>>
    %dma_wait3A_525 = tpu.memref_squeeze %dma_wait3A_524 : memref<1x128x64xf32, #tpu.memory_space<vmem>> -> memref<128x64xf32, #tpu.memory_space<vmem>>
    tpu.wait_dma2 semaphore(%arg19 : memref<!tpu.dma_semaphore, #tpu.memory_space<semaphore_mem>>) src(%arg9 : memref<128x64xf32, #tpu.memory_space<hbm>>) dst(%dma_wait3A_525 : memref<128x64xf32, #tpu.memory_space<vmem>>)
    return
  }
}

module attributes {stable_mosaic.version = 14 : i64} {
  func.func @body(%arg0: i32, %arg1: memref<512x64xf32, #tpu.memory_space<vmem>>, %arg2: memref<64x64xf32, #tpu.memory_space<vmem>>, %arg3: memref<1x64xf32, #tpu.memory_space<vmem>>, %arg4: memref<10240x64xf32, #tpu.memory_space<vmem>>, %arg5: memref<512x20xf32, #tpu.memory_space<vmem>>) attributes {dimension_semantics = [#tpu.dimension_semantics<arbitrary>], iteration_bounds = array<i64: 8>, scalar_prefetch = 0 : i64, scratch_operands = 0 : i64, tpu.core_type = #tpu.core_type<tc>, window_params = [{transform_indices = @transform_0, window_bounds = array<i64: 512, 64>}, {pipeline_mode = #tpu.pipeline_mode<synchronous>, transform_indices = @transform_1, window_bounds = array<i64: 64, 64>}, {pipeline_mode = #tpu.pipeline_mode<synchronous>, transform_indices = @transform_2, window_bounds = array<i64: 1, 64>}, {transform_indices = @transform_3, window_bounds = array<i64: 10240, 64>}, {transform_indices = @transform_4, window_bounds = array<i64: 512, 20>}]} {
    %get3A = arith.constant 0 : index
    %get3A_0 = arith.constant 0 : index
    %get3A_1 = vector.load %arg1[%get3A, %get3A_0] : memref<512x64xf32, #tpu.memory_space<vmem>>, vector<512x64xf32>
    %get3A_2 = arith.constant 0 : index
    %get3A_3 = arith.constant 0 : index
    %get3A_4 = vector.load %arg2[%get3A_2, %get3A_3] : memref<64x64xf32, #tpu.memory_space<vmem>>, vector<64x64xf32>
    %dot_general3A = arith.constant dense<0.000000e+00> : vector<512x64xf32>
    %dot_general3A_5 = tpu.matmul %get3A_1, %get3A_4, %dot_general3A {dimension_numbers = #tpu.dot_dimension_numbers<[1], [1], [0], [0], [0, 0, 1, 0], [], []>, transpose_lhs_hint = false} : vector<512x64xf32>, vector<64x64xf32>, vector<512x64xf32> -> vector<512x64xf32>
    %mul3A = arith.constant 2.000000e-02 : f32
    %mul3A_6 = vector.broadcast %mul3A : f32 to vector<512x64xf32>
    %mul3A_7 = arith.mulf %dot_general3A_5, %mul3A_6 : vector<512x64xf32>
    %get3A_8 = arith.constant 0 : index
    %get3A_9 = arith.constant 0 : index
    %get3A_10 = vector.load %arg3[%get3A_8, %get3A_9] : memref<1x64xf32, #tpu.memory_space<vmem>>, vector<1x64xf32>
    %add3A = vector.broadcast %get3A_10 : vector<1x64xf32> to vector<512x64xf32>
    %add3A_11 = arith.addf %mul3A_7, %add3A : vector<512x64xf32>
    %get3A_12 = arith.constant 0 : index
    %get3A_13 = arith.constant 0 : index
    %get3A_14 = vector.load %arg4[%get3A_12, %get3A_13] : memref<10240x64xf32, #tpu.memory_space<vmem>>, vector<10240x64xf32>
    %reshape3A = vector.shape_cast %get3A_14 : vector<10240x64xf32> to vector<512x20x64xf32>
    %broadcast_in_dim3A = vector.shape_cast %add3A_11 : vector<512x64xf32> to vector<512x1x64xf32>
    %mul3A_15 = vector.broadcast %broadcast_in_dim3A : vector<512x1x64xf32> to vector<512x20x64xf32>
    %mul3A_16 = arith.mulf %reshape3A, %mul3A_15 : vector<512x20x64xf32>
    %reduce_sum3A = arith.constant dense<0.000000e+00> : vector<512x20xf32>
    %reduce_sum3A_17 = vector.multi_reduction <add>, %mul3A_16, %reduce_sum3A [2] : vector<512x20x64xf32> to vector<512x20xf32>
    %swap3A = arith.constant 0 : index
    %swap3A_18 = arith.constant 0 : index
    %swap3A_19 = vector.load %arg5[%swap3A, %swap3A_18] : memref<512x20xf32, #tpu.memory_space<vmem>>, vector<512x20xf32>
    tpu.vector_store %arg5[%swap3A, %swap3A_18], %reduce_sum3A_17 {strides = array<i32>} : memref<512x20xf32, #tpu.memory_space<vmem>>, vector<512x20xf32>,
    return
  }
  func.func @transform_0(%arg0: i32) -> (i32, i32) {
    %c0_i32 = arith.constant 0 : i32
    %c0_i32_0 = arith.constant 0 : i32
    return %arg0, %c0_i32 : i32, i32
  }
  func.func @transform_1(%arg0: i32) -> (i32, i32) {
    %c0_i32 = arith.constant 0 : i32
    %c0_i32_0 = arith.constant 0 : i32
    %c0_i32_1 = arith.constant 0 : i32
    return %c0_i32, %c0_i32_0 : i32, i32
  }
  func.func @transform_2(%arg0: i32) -> (i32, i32) {
    %c0_i32 = arith.constant 0 : i32
    %c0_i32_0 = arith.constant 0 : i32
    %c0_i32_1 = arith.constant 0 : i32
    return %c0_i32, %c0_i32_0 : i32, i32
  }
  func.func @transform_3(%arg0: i32) -> (i32, i32) {
    %c0_i32 = arith.constant 0 : i32
    %c0_i32_0 = arith.constant 0 : i32
    return %arg0, %c0_i32 : i32, i32
  }
  func.func @transform_4(%arg0: i32) -> (i32, i32) {
    %c0_i32 = arith.constant 0 : i32
    %c0_i32_0 = arith.constant 0 : i32
    return %arg0, %c0_i32 : i32, i32
  }
}

</mosaic_0001>

<sc_bundles>
// kernel: kernel.4.cloned.1.call-start
scs
__scs_entry_jumppad:
0x0: {  	(pc) =	sbr.rel $0x88, $3  }
0x1: {  	(tag) =	ssettag $0x0;
	lr =	simm.s32 $0x1  }
0x2: {  	[smem:$0x3F99] =	sst lr;
	_ =	strace $0xD0000000  }
0x3: {  	_ = 	snop  }
0x4: {  	_ = 	snop  }
0x5: {  	_ = 	snop  }
0x6: {  	_ = 	snop  }
0x7: {  	_ = 	snop  }
__scs_overlays_trampoline_lowered:
0x8: {  	[smem:$0x3FA8] =	sst s0  }
0x9: {  	[smem:$0x3FA9] =	sst s1  }
0xa: {  	[smem:$0x3FAA] =	sst s2  }
0xb: {  	[smem:$0x3FAB] =	sst s3  }
0xc: {  	[smem:$0x3FAC] =	sst s4  }
0xd: {  	[smem:$0x3FAD] =	sst s5  }
0xe: {  	[smem:$0x3FAE] =	sst s6  }
0xf: {  	[smem:$0x3FAF] =	sst s7  }
0x10: {  	[smem:$0x3FB0] =	sst s8  }
0x11: {  	[smem:$0x3FB1] =	sst s9;
	s0 =	simm.s32 @!p0 $0x0  }
0x12: {  	s1 =	sld [smem:$0x3F97];
	s0 =	simm.s32 @p0 $0x1  }
0x13: {  	[smem:$0x3FB2] =	sst s0;
	s0 =	simm.s32 @!p1 $0x0  }
0x14: {  	s2 =	sld [smem:$0x3F96];
	s0 =	simm.s32 @p1 $0x1  }
0x15: {  	[smem:$0x3FB3] =	sst s0;
	s0 =	simm.s32 @!p2 $0x0  }
0x16: {  	s3 =	sld [smem:$0x3FDB];
	s0 =	simm.s32 @p2 $0x1  }
0x17: {  	s4 =	simm.s32 $0x1BF5;
	[smem:$0x3FB5] =	sst s0  }
0x18: {  	s0 =	sld [smem:$0x3F98];
	_ =	swait.ge [sflag:s4], $0x0  }
0x19: {  	s7 =	sld [smem:$0x3F99]  }
0x1a: {  	s8 =	sadd.s32 $0xFFFFE003, lr  }
0x1b: {  	s9 =	sadd.s32 $0xFFFFFEF7, lr;
	s5 =	simm.s32 $0xFFFFFFFF;
	p2 =	slt.u32 s8, $0xFFFFF086  }
0x1c: {  	p1 =	slt.u32 s9, $0xF7A;
	s5 =	simm.s32 @!p2 $0x0  }
0x1d: {  	s5 =	simm.s32 @p1 $0x1;
	p0 =	seq.s32 s7, s2  }
0x1e: {  	s7 =	smul.u32 @!p0 $0xF7A, s2;
	p2 =	seq.s32 @!p0 s5, $0x0  }
0x1f: {  	s9 =	smul.u32 $0xF7A, s1;
	s8 =	simm.s32 @!p0 $0x1BF5;
	p2 =	por !p2, p0  }
0x20: {  	[sflag:s8] =	ssyncset.s32 @!p0 $0xFFFFF086;
	s6 =	sadd.s32 @!p0 s3, s7;
	s7 =	simm.s32 @!p0 $0x108  }
0x21: {  	s3 =	sadd.s32 s3, s9;
	s6 =	sadd.s32 @!p0 $0x88, s6;
	s7 =	simm.s32 @p2 $0x1082  }
0x22: {  	[simem:s7], [sflag:s8] =	dma.local @!p0 [hbm:s6], $0xF7A  }
0x23: {  	s9 =	sor.u32 $0xD0000000, s2;
	s6 =	simm.s32 $0x108;
	_ =	swait.ge @!p0 [sflag:s8], $0x0  }
0x24: {  	s3 =	sadd.s32 $0x88, s3;
	s6 =	simm.s32 @!p1 $0x1082;
	[sflag:s4] =	ssyncset.s32 $0xFFFFF086  }
0x25: {  	[simem:s6], [sflag:s4] =	dma.local [hbm:s3], $0xF7A  }
0x26: {  	[smem:$0x3F99] =	sst s1;
	(tag) =	ssettag s2;
	_ =	strace s9  }
0x27: {  	s1 =	sld [smem:$0x3FA9]  }
0x28: {  	s2 =	sld [smem:$0x3FAA]  }
0x29: {  	s4 =	sld [smem:$0x3FAC]  }
0x2a: {  	p0 =	seq.s32 s5, $0x0;
	s5 =	sld [smem:$0x3FAD]  }
0x2b: {  	s6 =	sld [smem:$0x3FAE]  }
0x2c: {  	s7 =	sld [smem:$0x3FAF]  }
0x2d: {  	s3 =	simm.s32 $0x108;
	s8 =	sld [smem:$0x3FB0]  }
0x2e: {  	s3 =	simm.s32 @!p0 $0x1082;
	s9 =	sld [smem:$0x3FB1]  }
0x2f: {  	lr =	sadd.s32 s0, s3;
	s0 =	sld [smem:$0x3FA8]  }
0x30: {  	s3 =	sld [smem:$0x3FAB]  }
0x31: {  	[smem:$0x3FB4] =	sst s10  }
0x32: {  	s10 =	sld [smem:$0x3FB2];
	_ =	sdelay $0x3  }
0x33: {  	p0 =	seq.s32 s10, $0x1;
	s10 =	sld [smem:$0x3FB4];
	_ =	sdelay $0x3  }
0x34: {  	[smem:$0x3FB4] =	sst s10  }
0x35: {  	s10 =	sld [smem:$0x3FB3];
	_ =	sdelay $0x3  }
0x36: {  	p1 =	seq.s32 s10, $0x1;
	s10 =	sld [smem:$0x3FB4];
	_ =	sdelay $0x3  }
0x37: {  	[smem:$0x3FB4] =	sst s10  }
0x38: {  	s10 =	sld [smem:$0x3FB5]  }
0x39: {  	_ = 	snop;
	(pc) =	sbr.ind lr, $3  }
0x3a: {  	_ = 	snop  }
0x3b: {  	_ = 	snop  }
0x3c: {  	p2 =	seq.s32 s10, $0x1;
	s10 =	sld [smem:$0x3FB4]  }
0x3d: {  	_ =	shalt  }
0x3e: {  	_ =	shalt  }
0x3f: {  	_ =	shalt  }
0x40: {  	_ =	shalt  }
0x41: {  	_ =	shalt  }
0x42: {  	_ =	shalt  }
0x43: {  	_ =	shalt  }
0x44: {  	_ =	shalt  }
0x45: {  	_ =	shalt  }
0x46: {  	_ =	shalt  }
0x47: {  	_ =	shalt  }
0x48: {  	_ =	shalt  }
0x49: {  	_ =	shalt  }
0x4a: {  	_ =	shalt  }
0x4b: {  	_ =	shalt  }
0x4c: {  	_ =	shalt  }
0x4d: {  	_ =	shalt  }
0x4e: {  	_ =	shalt  }
0x4f: {  	_ =	shalt  }
0x50: {  	_ =	shalt  }
0x51: {  	_ =	shalt  }
0x52: {  	_ =	shalt  }
0x53: {  	_ =	shalt  }
0x54: {  	_ =	shalt  }
0x55: {  	_ =	shalt  }
0x56: {  	_ =	shalt  }
0x57: {  	_ =	shalt  }
0x58: {  	_ =	shalt  }
0x59: {  	_ =	shalt  }
0x5a: {  	_ =	shalt  }
0x5b: {  	_ =	shalt  }
0x5c: {  	_ =	shalt  }
0x5d: {  	_ =	shalt  }
0x5e: {  	_ =	shalt  }
0x5f: {  	_ =	shalt  }
0x60: {  	_ =	shalt  }
0x61: {  	_ =	shalt  }
0x62: {  	_ =	shalt  }
0x63: {  	_ =	shalt  }
0x64: {  	_ =	shalt  }
0x65: {  	_ =	shalt  }
0x66: {  	_ =	shalt  }
0x67: {  	_ =	shalt  }
0x68: {  	_ =	shalt  }
0x69: {  	_ =	shalt  }
0x6a: {  	_ =	shalt  }
0x6b: {  	_ =	shalt  }
0x6c: {  	_ =	shalt  }
0x6d: {  	_ =	shalt  }
0x6e: {  	_ =	shalt  }
0x6f: {  	_ =	shalt  }
0x70: {  	_ =	shalt  }
0x71: {  	_ =	shalt  }
0x72: {  	_ =	shalt  }
0x73: {  	_ =	shalt  }
0x74: {  	_ =	shalt  }
0x75: {  	_ =	shalt  }
0x76: {  	_ =	shalt  }
0x77: {  	_ =	shalt  }
0x78: {  	_ =	shalt  }
0x79: {  	_ =	shalt  }
0x7a: {  	_ =	shalt  }
0x7b: {  	_ =	shalt  }
0x7c: {  	_ =	shalt  }
0x7d: {  	_ =	shalt  }
0x7e: {  	_ =	shalt  }
0x7f: {  	_ =	shalt  }
0x80: {  	_ =	shalt  }
0x81: {  	_ =	shalt  }
0x82: {  	_ =	shalt  }
0x83: {  	_ =	shalt  }
0x84: {  	_ =	shalt  }
0x85: {  	_ =	shalt  }
0x86: {  	_ =	shalt  }
0x87: {  	_ =	shalt  }
.Lfunc_end0:
.L_simem_size_0:
called_computation_lowered:
.L_overlay_start_0:
0x88: {  	s2 =	sld [smem:$0x3FD9]  }
0x89: {  	s3 =	sld [smem:$0x3FFE];
	_ =	sdelay $0x1  }
0x8a: {  	s1 =	srdreg.scid  }
0x8b: {  	s0 =	sand.u32 $0x1, s1  }
0x8c: {  	s17 =	sshll.u32 s0, $0xA;
	s2 =	sadd.s32 s3, s2  }
0x8d: {  	s2 =	sadd.s32 s2, s17  }
0x8e: {  	[smem:$0x3FC0] =	sst s2  }
0x8f: {  	_ = 	snop  }
0x90: {  	s2 =	sld [smem:$0x3FD0];
	(tm) =	ssettm $0x1  }
0x91: {  	s18 =	sld [smem:$0x3FFB];
	_ =	sdelay $0x3  }
0x92: {  	_ =	strace s18  }
0x93: {  	s3 =	sld [smem:$0x3FFC];
	_ =	sdelay $0x3  }
0x94: {  	_ =	strace s3  }
0x95: {  	s3 =	sld [smem:$0x3FFD];
	_ =	sdelay $0x3  }
0x96: {  	_ =	strace s3  }
0x97: {  	_ =	strace $0x8FFFFFFF  }
0x98: {  	s19 =	sld [smem:$0x3FDB];
	_ =	sdelay $0x1  }
0x99: {  	s4 =	simm.s32 $_scs_section_size  }
0x9a: {  	s5 =	simm.s32 $_size__tile_overlayer_lowered;
	s6 =	simm.s32 $_tile_overlayer_lowered  }
0x9b: {  	s22 =	simm.s32 $0x1BFF;
	s21 =	sshll.u32 s6, $0x1;
	s3 =	sadd.s32 s4, s19  }
0x9c: {  	s7 =	simm.s32 $0x0;
	s20 =	sshll.u32 s5, $0x1;
	s5 =	sadd.s32 s21, s3  }
0x9d: {  	[timem:s7], [sflag:s22] =	dma.local [hbm:s5], s20  }
0x9e: {  	_ =	swait.ge [sflag:s22], s20  }
0x9f: {  	s4 =	ssub.s32 $0x0, s20;
	[sflag:s22] =	ssyncset.done $0x0  }
0xa0: {  	[sflag:s22] =	ssyncadd.s32 s4;
	_ =	sdelay $0x1  }
0xa1: {  	s23 =	simm.s32 $0x1B8B  }
0xa2: {  	_ =	swait.ge [sflag:s23], $0x1  }
0xa3: {  	[sflag:s23] =	ssyncset.done $0x0  }
0xa4: {  	s25 =	simm.s32 $0x1B8E;
	s24 =	sld [smem:$0x3FFE];
	[sflag:s23] =	ssyncadd.s32 $0xFFFFFFFF  }
0xa5: {  	s26 =	simm.s32 $execute0_lowered;
	[smem:$0x3FD2] =	sst s25  }
0xa6: {  	s5 =	sshll.u32 s26, $0x1;
	_ =	strace $0x80000046;
	[dreg:$0x1] =	wrdreg $0xFFFFFFFF  }
0xa7: {  	s28 =	simm.s32 $_size_execute0_lowered;
	s3 =	sadd.s32 s3, s5;
	[dreg:$0x0] =	wrdreg $0x0  }
0xa8: {  	s5 =	sshll.u32 s28, $0x1;
	[dreg:$0x2] =	wrdreg s3  }
0xa9: {  	[dreg:$0x3] =	wrdreg s5  }
0xaa: {  	[dreg:$0x4] =	wrdreg $0xC0  }
0xab: {  	_ =	task [dreg:s7], $0x5FFFF  }
0xac: {  	[dreg:$0x1] =	wrdreg $0xFFFFFFFF  }
0xad: {  	[dreg:$0x0] =	wrdreg $0x60  }
0xae: {  	[dreg:$0x2] =	wrdreg s24  }
0xaf: {  	[dreg:$0x3] =	wrdreg s2  }
0xb0: {  	[dreg:$0x4] =	wrdreg $0x155000  }
0xb1: {  	[dreg:$0x5] =	wrdreg $0x9  }
0xb2: {  	_ =	task.clear_ibuf [dreg:s7], $0x6FFFF;
	_ =	strace $0x90000046  }
0xb3: {  	s29 =	simm.s32 $0x9;
	_ =	strace $0x80000048  }
0xb4: {  	_ =	swait.ge [sflag:s29], $0x1  }
0xb5: {  	[sflag:s29] =	ssyncadd.s32 $0xFFFFFFFF  }
0xb6: {  	_ =	strace $0x90000048  }
0xb7: {  	_ =	sfence  }
0xb8: {  	s30 =	sld [smem:$0x0];
	_ =	sdelay $0x2  }
0xb9: {  	s31 =	sshll.u32 s1, $0xD;
	s1 =	sshrl.u32 s1, $0x2  }
0xba: {  	s3 =	sand.u32 $0x4000, s31;
	s1 =	sadd.s32 s1, s30  }
0xbb: {  	s0 =	sor.u32 s3, s0;
	s1 =	sshll.u32 s1, $0x11  }
0xbc: {  	s0 =	sor.u32 s1, s0  }
0xbd: {  	s0 =	sadd.s32 $0x8F2B, s0  }
0xbe: {  	[sflag:s0] =	ssyncadd.remote.s32 $0x1  }
0xbf: {  	_ =	sfence.sel $0xFFFF  }
0xc0: {  	[dreg:$0x0] =	wrdreg $0xFFFFFFFF;
	(pc) =	sbr.abs _section_cstart, $3  }
0xc1: {  	[dreg:$0x1] =	wrdreg $0xFFFFFFFF  }
0xc2: {  	_ =	task.clear_ibuf [dreg:s7], $0x2FFFF;
	_ =	strace $0x9FFFFFFF  }
0xc3: {  	(tm) =	ssettm $0x7FFFFFFF  }
tec
execute0_lowered:
.L_overlay_start_1:
0x0: {  	(tag) =	ssettag $0x1  }
0x1: {  	s0 =	rddreg [dreg:$0x0]  }
0x2: {  	s2 =	rddreg [dreg:$0x1]  }
0x3: {  	s1 =	rddreg [dreg:$0x2]  }
0x4: {  	s3 =	srdreg.scid;
	s13 =	stileid.u32  }
0x5: {  	s17 =	simm.s32 $0x3;
	s19 =	simm.s32 $0x3200;
	s20 =	simm.s32 $0x80  }
0x6: {  	s29 =	simm.s32 $0xD500;
	s31 =	simm.s32 $0xF500;
	s28 =	simm.s32 $0x1  }
0x7: {  	s30 =	simm.s32 $0x2;
	s7 =	sand.u32 $0x1, s3;
	s5 =	sadd.s32 $0x18F200, s0  }
0x8: {  	s3 =	simm.s32 $0x0;
	s6 =	sadd.s32 $0xF4AC00, s0;
	s11 =	sadd.s32 $0x7C00, s0  }
0x9: {  	s23 =	sshll.u32 s13, $0xD;
	s24 =	sshll.u32 s13, $0x6;
	s4 =	sshll.u32 s7, $0x4  }
0xa: {  	[smem:$0x7FF] =	sst s3;
	s10 =	smul.u32 $0x50000, s7;
	s7 =	ssub.s32 $0x2, s7  }
0xb: {  	s8 =	sor.u32 s13, s4;
	_ =	strace $0x80000047;
	s4 =	sadd.s32 $0x16EBE00, s0  }
0xc: {  	[dreg:$0x4] =	wrdreg s11;
	s22 =	sshrl.u32 s7, $0x1;
	s13 =	smul.u32 $0x5000, s13  }
0xd: {  	s9 =	smul.u32 $0x320, s8;
	s21 =	sshll.u32 s8, $0xA;
	s7 =	ssub.s32 s7, s22  }
0xe: {  	s12 =	smul.u32 $0x140, s8;
	s8 =	sor.u32 $0x1C03, s24;
	s22 =	simm.s32 $0x7500  }
0xf: {  	s24 =	simm.s32 $0x9500;
	s11 =	sadd.s32 s21, s0;
	s21 =	simm.s32 $0x5500  }
0x10: {  	s9 =	sadd.s32 s9, s0;
	s0 =	sadd.s32 s10, s0;
	s2 =	sadd.s32 s2, s12  }
0x11: {  	s10 =	sadd.s32 s23, s1;
	s26 =	sadd.s32 $0xB5000, s11;
	[dreg:$0x8] =	wrdreg s2  }
0x12: {  	s14 =	sadd.s32 $0x1800, s9;
	s25 =	sadd.s32 $0xEC00, s9;
	[dreg:$0x9] =	wrdreg s26  }
0x13: {  	s9 =	sadd.s32 $0x8800, s9;
	s0 =	sadd.s32 s13, s0;
	[dreg:$0x5] =	wrdreg s14  }
0x14: {  	s16 =	sshrl.u32 s10, $0x3;
	s26 =	simm.s32 $0xB500;
	[dreg:$0x6] =	wrdreg s25  }
0x15: {  	s2 =	simm.s32 $0x11500;
	[dreg:$0x7] =	wrdreg s9;
	s14 =	smax.u32 s7, $0x1  }
0x16: {  	s15 =	sadd.s32 $0x15000, s0;
	s25 =	simm.s32 $0x13500;
	s0 =	simm.s32 $0x0  }
.LBB2_1:
0x17: {  	s7 =	rddreg [dreg:$0x4]  }
0x18: {  	[spmem:s16], [sflag:s8] =	dma.local [hbm:s7], $0x400  }
0x19: {  	_ =	swait.ge [sflag:s17], $0x400  }
0x1a: {  	[sflag:s17] =	ssyncset.done $0x0  }
0x1b: {  	s7 =	simm.s32 $0x3C00;
	s9 =	rddreg [dreg:$0x5];
	[sflag:s17] =	ssyncadd.s32 $0xFFFFFC00  }
0x1c: {  	[tilespmem:s7], [sflag:$0x3] =	stream.linear.gather [hbm4b:s9+s3], $0x1900, $0x38;
	[tilespmem:$0x17500] =	vst v63  }
0x1d: {  	_ =	swait.ge [sflag:s17], $0x1900  }
0x1e: {  	[sflag:s17] =	ssyncset.done $0x0  }
0x1f: {  	s12 =	rddreg [dreg:$0x6];
	[sflag:s17] =	ssyncadd.s32 $0xFFFFE700  }
0x20: {  	[tilespmem:s3], [sflag:$0x3] =	stream.linear.gather [hbm4b:s12+s3], $0x1900, $0x38;
	[tilespmem:$0x17500] =	vst v63  }
0x21: {  	_ =	swait.ge [sflag:s17], $0x1900  }
0x22: {  	[sflag:s17] =	ssyncset.done $0x0  }
0x23: {  	s10 =	simm.s32 $0x1900;
	s13 =	rddreg [dreg:$0x7];
	[sflag:s17] =	ssyncadd.s32 $0xFFFFE700  }
0x24: {  	[tilespmem:s10], [sflag:$0x3] =	stream.linear.gather [hbm4b:s13+s3], $0x1900, $0x38;
	[tilespmem:$0x17500] =	vst v63  }
0x25: {  	_ =	swait.ge [sflag:s17], $0x1900  }
0x26: {  	[sflag:s17] =	ssyncset.done $0x0  }
0x27: {  	s18 =	rddreg [dreg:$0x8];
	[sflag:s17] =	ssyncadd.s32 $0xFFFFE700  }
0x28: {  	[tilespmem:s19], [sflag:$0x3] =	stream.linear.gather [hbm4b:s18+s3], $0xA00, $0x38;
	[tilespmem:$0x17500] =	vst v63  }
0x29: {  	_ =	swait.ge [sflag:s17], $0xA00  }
0x2a: {  	[sflag:s17] =	ssyncset.done $0x0  }
0x2b: {  	[sflag:s17] =	ssyncadd.s32 $0xFFFFF600  }
0x2c: {  	[tilespmem:s21], [sflag:$0x1] =	stream.indirect.gather [hbm4b:s4+s20], $0x40, s3, s20, $0xb8;
	[tilespmem:$0x17500] =	vst v63  }
0x2d: {  	_ = 	snop  }
0x2e: {  	[tilespmem:s22], [sflag:$0x1] =	stream.indirect.gather [hbm4b:s4+s20], $0x40, s20, s20, $0xb8;
	[tilespmem:$0x17500] =	vst v63  }
0x2f: {  	s23 =	simm.s32 $0x100  }
0x30: {  	[tilespmem:s24], [sflag:$0x1] =	stream.indirect.gather [hbm4b:s4+s20], $0x40, s23, s20, $0xb8;
	[tilespmem:$0x17500] =	vst v63  }
0x31: {  	s10 =	simm.s32 $0x180  }
0x32: {  	[tilespmem:s26], [sflag:$0x1] =	stream.indirect.gather [hbm4b:s4+s20], $0x40, s10, s20, $0xb8;
	[tilespmem:$0x17500] =	vst v63  }
0x33: {  	s11 =	simm.s32 $0x200  }
0x34: {  	[tilespmem:s29], [sflag:$0x1] =	stream.indirect.gather [hbm4b:s4+s20], $0x40, s11, s20, $0xb8;
	[tilespmem:$0x17500] =	vst v63  }
0x35: {  	s12 =	simm.s32 $0x280  }
0x36: {  	[tilespmem:s31], [sflag:$0x1] =	stream.indirect.gather [hbm4b:s4+s20], $0x40, s12, s20, $0xb8;
	[tilespmem:$0x17500] =	vst v63  }
0x37: {  	s13 =	simm.s32 $0x300  }
0x38: {  	[tilespmem:s2], [sflag:$0x1] =	stream.indirect.gather [hbm4b:s4+s20], $0x40, s13, s20, $0xb8;
	[tilespmem:$0x17500] =	vst v63  }
0x39: {  	s18 =	simm.s32 $0x380;
	s23 =	sand.u32 $0x38000, s3  }
0x3a: {  	[tilespmem:s25], [sflag:$0x1] =	stream.indirect.gather [hbm4b:s4+s20], $0x40, s18, s20, $0xb8;
	[tilespmem:$0x17500] =	vst v63  }
0x3b: {  	p0 =	por $0x0, $0x0;
	s9 =	sshrl.u32 s23, $0x2;
	_ =	swait.ge [sflag:s28], $0x2000  }
0x3c: {  	s23 =	simm.s32 $0x400;
	s9 =	sadd.s32 $0x5500, s9;
	[sflag:s28] =	ssyncset.done $0x0  }
0x3d: {  	s10 =	simm.s32 $0x8000;
	s18 =	simm.s32 @!p0 $0x2;
	[sflag:s28] =	ssyncadd.s32 $0xFFFFE000  }
0x3e: {  	[spmem:s1] =	stream.indirect.scatter.add.f32 [tilespmem:s9], [sflag:$0x2], $0x40, s7, s20, $0xb8;
	[tilespmem:$0x17500] =	vst v63  }
0x3f: {  	s11 =	simm.s32 $0x3C80;
	s12 =	simm.s32 $0x400;
	_ =	swait.ge @!p0 [sflag:s18], $0x2000  }
0x40: {  	s13 =	simm.s32 @!p0 $0x80;
	s7 =	simm.s32 $0x1;
	[sflag:s18] =	ssyncset.done @!p0 $0x0  }
.LBB2_2:
0x41: {  	[sflag:s18] =	ssyncadd.s32 @!p0 $0xFFFFE000  }
0x42: {  	s23 =	sadd.s32 $0x80, s23;
	s18 =	smov.u32 s7;
	s7 =	sadd.s32 $0x1, s7  }
0x43: {  	[tilespmem:s9], [sflag:$0x1] =	stream.indirect.gather @!p0 [hbm4b:s4+s13], $0x40, s12, s13, $0xb8;
	[tilespmem:$0x17500] =	vst v63  }
0x44: {  	s9 =	sand.u32 $0x38000, s10  }
0x45: {  	p1 =	sne.s32 s7, $0x32;
	s12 =	smov.u32 s23;
	_ =	swait.ge [sflag:s28], $0x2000  }
0x46: {  	p0 =	sgt.u32 s18, $0x29;
	s9 =	sshrl.u32 s9, $0x2;
	[sflag:s28] =	ssyncset.done $0x0  }
.Ltmp0:
0x47: {  	s9 =	sadd.s32 $0x5500, s9;
	[sflag:s28] =	ssyncadd.s32 $0xFFFFE000;
	(pc) =	sbr.rel @p1 .LBB2_2-.Ltmp0, $4  }
0x48: {  	[spmem:s1] =	stream.indirect.scatter.add.f32 [tilespmem:s9], [sflag:$0x2], $0x40, s11, s20, $0xb8;
	[tilespmem:$0x17500] =	vst v63  }
0x49: {  	s18 =	simm.s32 @!p0 $0x2  }
0x4a: {  	s10 =	sadd.s32 $0x8000, s10;
	_ =	swait.ge @!p0 [sflag:s18], $0x2000  }
0x4b: {  	s13 =	simm.s32 @!p0 $0x80;
	s11 =	sadd.s32 $0x80, s11;
	[sflag:s18] =	ssyncset.done @!p0 $0x0  }
0x4c: {  	[sflag:s18] =	ssyncadd.s32 @!p0 $0xFFFFE000  }
0x4d: {  	[tilespmem:s9], [sflag:$0x1] =	stream.indirect.gather @!p0 [hbm4b:s4+s13], $0x40, s12, s13, $0xb8;
	[tilespmem:$0x17500] =	vst v63  }
0x4e: {  	_ =	swait.ge [sflag:s30], $0x2000  }
0x4f: {  	[sflag:s30] =	ssyncset.done $0x0  }
0x50: {  	[sflag:s30] =	ssyncadd.s32 $0xFFFFE000  }
0x51: {  	_ =	swait.ge [sflag:s30], $0x2000  }
0x52: {  	[sflag:s30] =	ssyncset.done $0x0  }
0x53: {  	[sflag:s30] =	ssyncadd.s32 $0xFFFFE000  }
0x54: {  	_ =	swait.ge [sflag:s30], $0x2000  }
0x55: {  	[sflag:s30] =	ssyncset.done $0x0  }
0x56: {  	[sflag:s30] =	ssyncadd.s32 $0xFFFFE000  }
0x57: {  	_ =	swait.ge [sflag:s30], $0x2000  }
0x58: {  	[sflag:s30] =	ssyncset.done $0x0  }
0x59: {  	[sflag:s30] =	ssyncadd.s32 $0xFFFFE000  }
0x5a: {  	_ =	swait.ge [sflag:s30], $0x2000  }
0x5b: {  	[sflag:s30] =	ssyncset.done $0x0  }
0x5c: {  	[sflag:s30] =	ssyncadd.s32 $0xFFFFE000  }
0x5d: {  	_ =	swait.ge [sflag:s30], $0x2000  }
0x5e: {  	[sflag:s30] =	ssyncset.done $0x0  }
0x5f: {  	[sflag:s30] =	ssyncadd.s32 $0xFFFFE000  }
0x60: {  	_ =	swait.ge [sflag:s30], $0x2000  }
0x61: {  	[sflag:s30] =	ssyncset.done $0x0  }
0x62: {  	[sflag:s30] =	ssyncadd.s32 $0xFFFFE000  }
0x63: {  	_ =	swait.ge [sflag:s30], $0x2000  }
0x64: {  	[sflag:s30] =	ssyncset.done $0x0  }
0x65: {  	s7 =	simm.s32 $0x1900;
	[sflag:s30] =	ssyncadd.s32 $0xFFFFE000  }
0x66: {  	[tilespmem:s21], [sflag:$0x1] =	stream.indirect.gather [hbm4b:s5+s20], $0x40, s7, s20, $0xb8;
	[tilespmem:$0x17500] =	vst v63  }
0x67: {  	s23 =	simm.s32 $0x1980  }
0x68: {  	[tilespmem:s22], [sflag:$0x1] =	stream.indirect.gather [hbm4b:s5+s20], $0x40, s23, s20, $0xb8;
	[tilespmem:$0x17500] =	vst v63  }
0x69: {  	s9 =	simm.s32 $0x1A00  }
0x6a: {  	[tilespmem:s24], [sflag:$0x1] =	stream.indirect.gather [hbm4b:s5+s20], $0x40, s9, s20, $0xb8;
	[tilespmem:$0x17500] =	vst v63  }
0x6b: {  	s10 =	simm.s32 $0x1A80  }
0x6c: {  	[tilespmem:s26], [sflag:$0x1] =	stream.indirect.gather [hbm4b:s5+s20], $0x40, s10, s20, $0xb8;
	[tilespmem:$0x17500] =	vst v63  }
0x6d: {  	s11 =	simm.s32 $0x1B00  }
0x6e: {  	[tilespmem:s29], [sflag:$0x1] =	stream.indirect.gather [hbm4b:s5+s20], $0x40, s11, s20, $0xb8;
	[tilespmem:$0x17500] =	vst v63  }
0x6f: {  	s12 =	simm.s32 $0x1B80  }
0x70: {  	[tilespmem:s31], [sflag:$0x1] =	stream.indirect.gather [hbm4b:s5+s20], $0x40, s12, s20, $0xb8;
	[tilespmem:$0x17500] =	vst v63  }
0x71: {  	s13 =	simm.s32 $0x1C00;
	s23 =	simm.s32 $0x0  }
0x72: {  	[tilespmem:s2], [sflag:$0x1] =	stream.indirect.gather [hbm4b:s5+s20], $0x40, s13, s20, $0xb8;
	[tilespmem:$0x17500] =	vst v63  }
0x73: {  	s18 =	simm.s32 $0x1C80;
	p0 =	por $0x0, $0x0;
	s7 =	sand.u32 $0x38000, s23  }
0x74: {  	[tilespmem:s25], [sflag:$0x1] =	stream.indirect.gather [hbm4b:s5+s20], $0x40, s18, s20, $0xb8;
	[tilespmem:$0x17500] =	vst v63  }
0x75: {  	s23 =	simm.s32 $0x1D00;
	s7 =	sshrl.u32 s7, $0x2;
	_ =	swait.ge [sflag:s28], $0x2000  }
0x76: {  	s9 =	sadd.s32 $0x5500, s7;
	s7 =	simm.s32 $0x1;
	[sflag:s28] =	ssyncset.done $0x0  }
0x77: {  	s10 =	simm.s32 $0x3C00;
	s18 =	simm.s32 @!p0 $0x2;
	[sflag:s28] =	ssyncadd.s32 $0xFFFFE000  }
0x78: {  	[spmem:s1] =	stream.indirect.scatter.add.f32 [tilespmem:s9], [sflag:$0x2], $0x40, s10, s20, $0xb8;
	[tilespmem:$0x17500] =	vst v63  }
0x79: {  	s11 =	simm.s32 $0x3C80;
	s12 =	simm.s32 $0x1D00;
	_ =	swait.ge @!p0 [sflag:s18], $0x2000  }
0x7a: {  	s13 =	simm.s32 @!p0 $0x80;
	s10 =	simm.s32 $0x8000;
	[sflag:s18] =	ssyncset.done @!p0 $0x0  }
.LBB2_4:
0x7b: {  	[sflag:s18] =	ssyncadd.s32 @!p0 $0xFFFFE000  }
0x7c: {  	s23 =	sadd.s32 $0x80, s23;
	s18 =	smov.u32 s7;
	s7 =	sadd.s32 $0x1, s7  }
0x7d: {  	[tilespmem:s9], [sflag:$0x1] =	stream.indirect.gather @!p0 [hbm4b:s5+s13], $0x40, s12, s13, $0xb8;
	[tilespmem:$0x17500] =	vst v63  }
0x7e: {  	s9 =	sand.u32 $0x38000, s10  }
0x7f: {  	p1 =	sne.s32 s7, $0x32;
	s12 =	smov.u32 s23;
	_ =	swait.ge [sflag:s28], $0x2000  }
0x80: {  	p0 =	sgt.u32 s18, $0x29;
	s9 =	sshrl.u32 s9, $0x2;
	[sflag:s28] =	ssyncset.done $0x0  }
.Ltmp1:
0x81: {  	s9 =	sadd.s32 $0x5500, s9;
	[sflag:s28] =	ssyncadd.s32 $0xFFFFE000;
	(pc) =	sbr.rel @p1 .LBB2_4-.Ltmp1, $4  }
0x82: {  	[spmem:s1] =	stream.indirect.scatter.add.f32 [tilespmem:s9], [sflag:$0x2], $0x40, s11, s20, $0xb8;
	[tilespmem:$0x17500] =	vst v63  }
0x83: {  	s18 =	simm.s32 @!p0 $0x2  }
0x84: {  	s10 =	sadd.s32 $0x8000, s10;
	_ =	swait.ge @!p0 [sflag:s18], $0x2000  }
0x85: {  	s13 =	simm.s32 @!p0 $0x80;
	s11 =	sadd.s32 $0x80, s11;
	[sflag:s18] =	ssyncset.done @!p0 $0x0  }
0x86: {  	[sflag:s18] =	ssyncadd.s32 @!p0 $0xFFFFE000  }
0x87: {  	[tilespmem:s9], [sflag:$0x1] =	stream.indirect.gather @!p0 [hbm4b:s5+s13], $0x40, s12, s13, $0xb8;
	[tilespmem:$0x17500] =	vst v63  }
0x88: {  	_ =	swait.ge [sflag:s30], $0x2000  }
0x89: {  	[sflag:s30] =	ssyncset.done $0x0  }
0x8a: {  	[sflag:s30] =	ssyncadd.s32 $0xFFFFE000  }
0x8b: {  	_ =	swait.ge [sflag:s30], $0x2000  }
0x8c: {  	[sflag:s30] =	ssyncset.done $0x0  }
0x8d: {  	[sflag:s30] =	ssyncadd.s32 $0xFFFFE000  }
0x8e: {  	_ =	swait.ge [sflag:s30], $0x2000  }
0x8f: {  	[sflag:s30] =	ssyncset.done $0x0  }
0x90: {  	[sflag:s30] =	ssyncadd.s32 $0xFFFFE000  }
0x91: {  	_ =	swait.ge [sflag:s30], $0x2000  }
0x92: {  	[sflag:s30] =	ssyncset.done $0x0  }
0x93: {  	[sflag:s30] =	ssyncadd.s32 $0xFFFFE000  }
0x94: {  	_ =	swait.ge [sflag:s30], $0x2000  }
0x95: {  	[sflag:s30] =	ssyncset.done $0x0  }
0x96: {  	[sflag:s30] =	ssyncadd.s32 $0xFFFFE000  }
0x97: {  	_ =	swait.ge [sflag:s30], $0x2000  }
0x98: {  	[sflag:s30] =	ssyncset.done $0x0  }
0x99: {  	[sflag:s30] =	ssyncadd.s32 $0xFFFFE000  }
0x9a: {  	_ =	swait.ge [sflag:s30], $0x2000  }
0x9b: {  	[sflag:s30] =	ssyncset.done $0x0  }
0x9c: {  	[sflag:s30] =	ssyncadd.s32 $0xFFFFE000  }
0x9d: {  	_ =	swait.ge [sflag:s30], $0x2000  }
0x9e: {  	[sflag:s30] =	ssyncset.done $0x0  }
0x9f: {  	s7 =	rddreg [dreg:$0x9];
	[sflag:s30] =	ssyncadd.s32 $0xFFFFE000  }
0xa0: {  	[hbm:s7], [sflag:s8] =	dma.local [spmem:s16], $0x400  }
0xa1: {  	_ =	swait.ge [sflag:s17], $0x400  }
0xa2: {  	[sflag:s17] =	ssyncset.done $0x0  }
0xa3: {  	[sflag:s17] =	ssyncadd.s32 $0xFFFFFC00  }
0xa4: {  	[tilespmem:s21], [sflag:$0x1] =	stream.indirect.gather [hbm4b:s6+s20], $0x40, s19, s20, $0xb8;
	[tilespmem:$0x17500] =	vst v63  }
0xa5: {  	s23 =	simm.s32 $0x3280  }
0xa6: {  	[tilespmem:s22], [sflag:$0x1] =	stream.indirect.gather [hbm4b:s6+s20], $0x40, s23, s20, $0xb8;
	[tilespmem:$0x17500] =	vst v63  }
0xa7: {  	s9 =	simm.s32 $0x3300  }
0xa8: {  	[tilespmem:s24], [sflag:$0x1] =	stream.indirect.gather [hbm4b:s6+s20], $0x40, s9, s20, $0xb8;
	[tilespmem:$0x17500] =	vst v63  }
0xa9: {  	s10 =	simm.s32 $0x3380  }
0xaa: {  	[tilespmem:s26], [sflag:$0x1] =	stream.indirect.gather [hbm4b:s6+s20], $0x40, s10, s20, $0xb8;
	[tilespmem:$0x17500] =	vst v63  }
0xab: {  	s11 =	simm.s32 $0x3400  }
0xac: {  	[tilespmem:s29], [sflag:$0x1] =	stream.indirect.gather [hbm4b:s6+s20], $0x40, s11, s20, $0xb8;
	[tilespmem:$0x17500] =	vst v63  }
0xad: {  	s12 =	simm.s32 $0x3480  }
0xae: {  	[tilespmem:s31], [sflag:$0x1] =	stream.indirect.gather [hbm4b:s6+s20], $0x40, s12, s20, $0xb8;
	[tilespmem:$0x17500] =	vst v63  }
0xaf: {  	s13 =	simm.s32 $0x3500;
	s23 =	simm.s32 $0x0  }
0xb0: {  	[tilespmem:s2], [sflag:$0x1] =	stream.indirect.gather [hbm4b:s6+s20], $0x40, s13, s20, $0xb8;
	[tilespmem:$0x17500] =	vst v63  }
0xb1: {  	s18 =	simm.s32 $0x3580;
	s7 =	sand.u32 $0x38000, s23  }
0xb2: {  	[tilespmem:s25], [sflag:$0x1] =	stream.indirect.gather [hbm4b:s6+s20], $0x40, s18, s20, $0xb8;
	[tilespmem:$0x17500] =	vst v63  }
0xb3: {  	p0 =	por $0x0, $0x0;
	s7 =	sshrl.u32 s7, $0x2;
	_ =	swait.ge [sflag:s28], $0x2000  }
0xb4: {  	s23 =	simm.s32 $0x3600;
	s9 =	sadd.s32 $0x5500, s7;
	[sflag:s28] =	ssyncset.done $0x0  }
0xb5: {  	s7 =	simm.s32 $0x1;
	s18 =	simm.s32 @!p0 $0x2;
	[sflag:s28] =	ssyncadd.s32 $0xFFFFE000  }
0xb6: {  	[hbm4b:s15+s3] =	stream.linear.scatter [tilespmem:s9], [sflag:$0x2], $0x2000, $0x38;
	[tilespmem:$0x17500] =	vst v63  }
0xb7: {  	s10 =	simm.s32 $0x8000;
	s11 =	sadd.s32 $0x400, s15;
	_ =	swait.ge @!p0 [sflag:s18], $0x2000  }
0xb8: {  	s12 =	simm.s32 $0x3600;
	s13 =	simm.s32 @!p0 $0x80;
	[sflag:s18] =	ssyncset.done @!p0 $0x0  }
.LBB2_6:
0xb9: {  	[sflag:s18] =	ssyncadd.s32 @!p0 $0xFFFFE000  }
0xba: {  	s23 =	sadd.s32 $0x80, s23;
	s18 =	smov.u32 s7;
	s7 =	sadd.s32 $0x1, s7  }
0xbb: {  	[tilespmem:s9], [sflag:$0x1] =	stream.indirect.gather @!p0 [hbm4b:s6+s13], $0x40, s12, s13, $0xb8;
	[tilespmem:$0x17500] =	vst v63  }
0xbc: {  	s9 =	sand.u32 $0x38000, s10  }
0xbd: {  	p1 =	sne.s32 s7, $0x14;
	s12 =	smov.u32 s23;
	_ =	swait.ge [sflag:s28], $0x2000  }
0xbe: {  	p0 =	sgt.u32 s18, $0xB;
	s9 =	sshrl.u32 s9, $0x2;
	[sflag:s28] =	ssyncset.done $0x0  }
.Ltmp2:
0xbf: {  	s9 =	sadd.s32 $0x5500, s9;
	[sflag:s28] =	ssyncadd.s32 $0xFFFFE000;
	(pc) =	sbr.rel @p1 .LBB2_6-.Ltmp2, $4  }
0xc0: {  	[hbm4b:s11+s3] =	stream.linear.scatter [tilespmem:s9], [sflag:$0x2], $0x2000, $0x38;
	[tilespmem:$0x17500] =	vst v63  }
0xc1: {  	s18 =	simm.s32 @!p0 $0x2  }
0xc2: {  	s10 =	sadd.s32 $0x8000, s10;
	_ =	swait.ge @!p0 [sflag:s18], $0x2000  }
0xc3: {  	s13 =	simm.s32 @!p0 $0x80;
	s11 =	sadd.s32 $0x400, s11;
	[sflag:s18] =	ssyncset.done @!p0 $0x0  }
0xc4: {  	[sflag:s18] =	ssyncadd.s32 @!p0 $0xFFFFE000  }
0xc5: {  	[tilespmem:s9], [sflag:$0x1] =	stream.indirect.gather @!p0 [hbm4b:s6+s13], $0x40, s12, s13, $0xb8;
	[tilespmem:$0x17500] =	vst v63  }
0xc6: {  	_ =	swait.ge [sflag:s30], $0x2000  }
0xc7: {  	[sflag:s30] =	ssyncset.done $0x0  }
0xc8: {  	[sflag:s30] =	ssyncadd.s32 $0xFFFFE000  }
0xc9: {  	_ =	swait.ge [sflag:s30], $0x2000  }
0xca: {  	[sflag:s30] =	ssyncset.done $0x0  }
0xcb: {  	[sflag:s30] =	ssyncadd.s32 $0xFFFFE000  }
0xcc: {  	_ =	swait.ge [sflag:s30], $0x2000  }
0xcd: {  	[sflag:s30] =	ssyncset.done $0x0  }
0xce: {  	[sflag:s30] =	ssyncadd.s32 $0xFFFFE000  }
0xcf: {  	_ =	swait.ge [sflag:s30], $0x2000  }
0xd0: {  	[sflag:s30] =	ssyncset.done $0x0  }
0xd1: {  	[sflag:s30] =	ssyncadd.s32 $0xFFFFE000  }
0xd2: {  	_ =	swait.ge [sflag:s30], $0x2000  }
0xd3: {  	[sflag:s30] =	ssyncset.done $0x0  }
0xd4: {  	[sflag:s30] =	ssyncadd.s32 $0xFFFFE000  }
0xd5: {  	_ =	swait.ge [sflag:s30], $0x2000  }
0xd6: {  	[sflag:s30] =	ssyncset.done $0x0  }
0xd7: {  	s0 =	sadd.s32 $0x1, s0;
	[sflag:s30] =	ssyncadd.s32 $0xFFFFE000  }
0xd8: {  	p0 =	sne.s32 s0, s14;
	_ =	swait.ge [sflag:s30], $0x2000  }
.Ltmp3:
0xd9: {  	[sflag:s30] =	ssyncset.done $0x0;
	(pc) =	sbr.rel @p0 .LBB2_1-.Ltmp3, $4  }
0xda: {  	[sflag:s30] =	ssyncadd.s32 $0xFFFFE000  }
0xdb: {  	_ =	swait.ge [sflag:s30], $0x2000  }
0xdc: {  	[sflag:s30] =	ssyncset.done $0x0  }
0xdd: {  	[sflag:s30] =	ssyncadd.s32 $0xFFFFE000  }
0xde: {  	_ =	sfence.sel $0x180000  }
0xdf: {  	[bflag:$0x0] =	sbarrier.arrive $0xFFFF  }
0xe0: {  	_ =	strace $0x90000047  }
0xe1: {  	s0 =	stileid.u32;
	[bflag:$0x2] =	sbarrier.arrive $0xFFFF  }
0xe2: {  	p0 =	sne.s32 s0, $0x0;
	s0 =	rddreg [dreg:$0x3]  }
0xe3: {  	s0 =	sadd.s32 @!p0 $0x100000, s0  }
0xe4: {  	[sflag:s0] =	ssyncadd.tile.s32 @!p0 $0x1;
	_ =	shalt  }
.Lfunc_end2:
_tile_overlayer_lowered:
.L_overlay_start_2:
0xe5: {  	(tag) =	ssettag $0x2  }
0xe6: {  	s0 =	rddreg [dreg:$0x0];
	s2 =	stileid.u32  }
0xe7: {  	s1 =	rddreg [dreg:$0x1];
	p0 =	sne.s32 s2, $0x0  }
0xe8: {  	s3 =	rddreg [dreg:$0x2];
	[bflag:$0x3] =	sbarrier.arrive $0xFFFF;
	s2 =	simm.s32 @!p0 $0x1C03  }
0xe9: {  	[timem:s3], [sflag:s2] =	dma.local @!p0 [hbm:s0], s1  }
0xea: {  	s0 =	simm.s32 @!p0 $0x3  }
0xeb: {  	_ =	swait.ge @!p0 [sflag:s0], s1  }
0xec: {  	s1 =	ssub.s32 @!p0 $0x0, s1;
	[sflag:s0] =	ssyncset.done @!p0 $0x0  }
0xed: {  	[sflag:s0] =	ssyncadd.s32 @!p0 s1  }
0xee: {  	[bflag:$0x3] =	sbarrier.arrive $0xFFFF  }
0xef: {  	_ =	shalt  }

</sc_bundles>
